<compile_context>
chip_gen: v7x
topology: tpu7x:2x2x1
jax: 0.10.2.dev20260603
libtpu: 0.0.44.dev20260713+nightly
codegen_flags: <defaults>
</compile_context>

<pallas_src>
import functools

import jax
import jax.numpy as jnp
from jax import lax
from jax.experimental import pallas as pl
from jax.experimental.pallas import tpu as pltpu
from jax.experimental.pallas import tpu_sc as plsc

N_NODES = 100000
N_EDGES = 6400000

NC = 2
NS = 16
NW = NC * NS

N_PAD = 100352
NPT = N_PAD // NS
PER_W = N_EDGES // NW
CHUNK = 2000
K_STEPS = PER_W // CHUNK

_mesh = plsc.VectorSubcoreMesh(core_axis_name="c", subcore_axis_name="s")


def _f32(shape):
    return jax.ShapeDtypeStruct(shape, jnp.float32)



@functools.partial(
    pl.kernel, mesh=_mesh,
    out_type=_f32((NC * N_PAD,)),
    scratch_types=[
        pltpu.VMEM((CHUNK,), jnp.int32),
        pltpu.VMEM((CHUNK,), jnp.float32),
        pltpu.VMEM((NPT,), jnp.float32),
        pltpu.VMEM_SHARED((N_PAD,), jnp.float32),
    ],
)
def _sc_degree(dst_hbm, out_hbm, idx_v, ones_v, zero_v, acc_sh):
    cid = lax.axis_index("c")
    sid = lax.axis_index("s")
    wid = sid * NC + cid

    @pl.loop(0, CHUNK, step=16)
    def _(i):
        ones_v[pl.ds(i, 16)] = jnp.full((16,), 1.0, jnp.float32)

    @pl.loop(0, NPT, step=16)
    def _(i):
        zero_v[pl.ds(i, 16)] = jnp.zeros((16,), jnp.float32)

    pltpu.sync_copy(zero_v, acc_sh.at[pl.ds(sid * NPT, NPT)])
    plsc.subcore_barrier()

    base = wid * PER_W

    @pl.loop(0, K_STEPS)
    def _(k):
        pltpu.sync_copy(dst_hbm.at[pl.ds(base + k * CHUNK, CHUNK)], idx_v)
        pltpu.sync_copy(ones_v, acc_sh.at[idx_v], add=True)

    plsc.subcore_barrier()
    pltpu.sync_copy(acc_sh.at[pl.ds(sid * NPT, NPT)],
                    out_hbm.at[pl.ds(cid * N_PAD + sid * NPT, NPT)])


CHUNK1 = 1000
K1_STEPS = PER_W // CHUNK1


@functools.partial(
    pl.kernel, mesh=_mesh,
    out_type=_f32((NC * N_PAD, 16)),
    compiler_params=pltpu.CompilerParams(use_tc_tiling_on_sc=False),
    scratch_types=[
        pltpu.VMEM((CHUNK1,), jnp.int32),
        pltpu.VMEM((CHUNK1,), jnp.int32),
        pltpu.VMEM((CHUNK1, 16), jnp.float32),
        pltpu.VMEM_SHARED((N_PAD, 16), jnp.float32),
    ],
)
def _sc_layer1(hs_hbm, src_hbm, dst_hbm, out_hbm, si_v, di_v, rows_v, acc_sh):
    cid = lax.axis_index("c")
    sid = lax.axis_index("s")
    wid = sid * NC + cid

    @pl.loop(0, CHUNK1)
    def _(i):
        rows_v[i, :] = jnp.zeros((16,), jnp.float32)

    @pl.loop(0, 6)
    def _(j):
        pltpu.sync_copy(rows_v, acc_sh.at[pl.ds(sid * NPT + j * CHUNK1,
                                                CHUNK1), :])
    pltpu.sync_copy(rows_v.at[pl.ds(0, NPT - 6 * CHUNK1), :],
                    acc_sh.at[pl.ds(sid * NPT + 6 * CHUNK1,
                                    NPT - 6 * CHUNK1), :])
    plsc.subcore_barrier()

    base = wid * PER_W

    @pl.loop(0, K1_STEPS)
    def _(k):
        pltpu.sync_copy(src_hbm.at[pl.ds(base + k * CHUNK1, CHUNK1)], si_v)
        pltpu.sync_copy(dst_hbm.at[pl.ds(base + k * CHUNK1, CHUNK1)], di_v)
        pltpu.sync_copy(hs_hbm.at[si_v], rows_v)
        pltpu.sync_copy(rows_v, acc_sh.at[di_v], add=True)

    plsc.subcore_barrier()
    pltpu.sync_copy(acc_sh.at[pl.ds(sid * NPT, NPT), :],
                    out_hbm.at[pl.ds(cid * N_PAD + sid * NPT, NPT), :])


@functools.partial(
    pl.kernel, mesh=_mesh,
    out_type=_f32((NC * N_PAD,)),
    scratch_types=[
        pltpu.VMEM((CHUNK,), jnp.int32),
        pltpu.VMEM((CHUNK,), jnp.int32),
        pltpu.VMEM((CHUNK,), jnp.float32),
        pltpu.VMEM((NPT,), jnp.float32),
        pltpu.VMEM_SHARED((N_PAD,), jnp.float32),
        pltpu.VMEM_SHARED((N_PAD,), jnp.float32),
    ],
)
def _sc_layer2(g_hbm, src_hbm, dst_hbm, out_hbm, si_v, di_v, val_v, zero_v,
               tab_sh, acc_sh):
    cid = lax.axis_index("c")
    sid = lax.axis_index("s")
    wid = sid * NC + cid

    @pl.loop(0, NPT, step=16)
    def _(i):
        zero_v[pl.ds(i, 16)] = jnp.zeros((16,), jnp.float32)

    pltpu.sync_copy(zero_v, acc_sh.at[pl.ds(sid * NPT, NPT)])
    pltpu.sync_copy(g_hbm.at[pl.ds(sid * NPT, NPT)],
                    tab_sh.at[pl.ds(sid * NPT, NPT)])
    plsc.subcore_barrier()

    base = wid * PER_W

    @pl.loop(0, K_STEPS)
    def _(k):
        pltpu.sync_copy(src_hbm.at[pl.ds(base + k * CHUNK, CHUNK)], si_v)
        pltpu.sync_copy(dst_hbm.at[pl.ds(base + k * CHUNK, CHUNK)], di_v)
        pltpu.sync_copy(tab_sh.at[si_v], val_v)
        pltpu.sync_copy(val_v, acc_sh.at[di_v], add=True)

    plsc.subcore_barrier()
    pltpu.sync_copy(acc_sh.at[pl.ds(sid * NPT, NPT)],
                    out_hbm.at[pl.ds(cid * N_PAD + sid * NPT, NPT)])



_ROWS = 2000
_GRID = N_NODES // _ROWS


def _row_spec(d):
    return pl.BlockSpec((_ROWS, d), lambda i: (i, 0))


def _full_spec(r, c):
    return pl.BlockSpec((r, c), lambda i: (0, 0))


def _tc_prep_body(d0_ref, d1_ref, x_ref, w1_ref, hs1_ref, dinv_ref):
    deg = d0_ref[...] + d1_ref[...] + 1.0
    dinv = lax.rsqrt(deg)
    h = jnp.dot(x_ref[...], w1_ref[...], preferred_element_type=jnp.float32)
    hs1_ref[...] = h * dinv
    dinv_ref[...] = dinv


def _tc_mid_body(p0_ref, p1_ref, hs1_ref, dinv_ref, b1_ref, w2_ref, g2_ref):
    dinv = dinv_ref[...]
    acc = p0_ref[...] + p1_ref[...] + hs1_ref[...]
    out1 = jnp.maximum(acc * dinv + b1_ref[...], 0.0)
    g2_ref[...] = jnp.dot(out1, w2_ref[...],
                          preferred_element_type=jnp.float32) * dinv


def _tc_final_body(p0_ref, p1_ref, g2_ref, dinv_ref, b2_ref, out_ref):
    out_ref[...] = ((p0_ref[...] + p1_ref[...] + g2_ref[...]) * dinv_ref[...]
                    + b2_ref[...])


def kernel(x, edge_index, W1, b1, W2, b2):
    src = edge_index[0].astype(jnp.int32)
    dst = edge_index[1].astype(jnp.int32)

    deg_p = _sc_degree(dst)
    d0 = deg_p[0:N_NODES, None]
    d1 = deg_p[N_PAD:N_PAD + N_NODES, None]

    hs1, dinv = pl.pallas_call(
        _tc_prep_body,
        grid=(_GRID,),
        in_specs=[_row_spec(1), _row_spec(1), _row_spec(5), _full_spec(5, 16)],
        out_specs=[_row_spec(16), _row_spec(1)],
        out_shape=[_f32((N_NODES, 16)), _f32((N_NODES, 1))],
    )(d0, d1, x, W1)

    acc1_p = _sc_layer1(hs1, src, dst)
    p0 = acc1_p[0:N_NODES]
    p1 = acc1_p[N_PAD:N_PAD + N_NODES]

    g2 = pl.pallas_call(
        _tc_mid_body,
        grid=(_GRID,),
        in_specs=[_row_spec(16), _row_spec(16), _row_spec(16), _row_spec(1),
                  _full_spec(1, 16), _full_spec(16, 1)],
        out_specs=_row_spec(1),
        out_shape=_f32((N_NODES, 1)),
    )(p0, p1, hs1, dinv, b1[None, :], W2)

    g2_pad = jnp.pad(g2[:, 0], (0, N_PAD - N_NODES))
    acc2_p = _sc_layer2(g2_pad, src, dst)
    q0 = acc2_p[0:N_NODES, None]
    q1 = acc2_p[N_PAD:N_PAD + N_NODES, None]

    out = pl.pallas_call(
        _tc_final_body,
        grid=(_GRID,),
        in_specs=[_row_spec(1), _row_spec(1), _row_spec(1), _row_spec(1),
                  _full_spec(1, 1)],
        out_specs=_row_spec(1),
        out_shape=_f32((N_NODES, 1)),
    )(q0, q1, g2, dinv, b2[None, :])
    return out

# --- scband reference (transcript-rebuilt; emitter-appended) ---
"""Pipeline reference for scband-gnnmodel-31576599560907 (READ-ONLY COPY).

The authoritative reference and input builder live on the scoring server;
editing this copy changes nothing except your own understanding.
"""

import jax, jax.numpy as jnp
import numpy as np

N_NODES = 100000
N_EDGES = 6400000


def setup_inputs(seed: int = 0) -> dict:
    key = jax.random.key(seed)
    k1, k2, k3, k4, k5, k6 = jax.random.split(key, 6)
    x = jax.random.normal(k1, (N_NODES, 5), dtype=jnp.float32)
    edge_index = jax.random.randint(k2, (2, N_EDGES), 0, N_NODES, dtype=jnp.int64)
    # GCNConv layer 1: in=5, out=16 (glorot-style init)
    W1 = jax.random.normal(k3, (5, 16), dtype=jnp.float32) * (1.0 / np.sqrt(5.0))
    b1 = jnp.zeros((16,), dtype=jnp.float32)
    # GCNConv layer 2: in=16, out=1
    W2 = jax.random.normal(k4, (16, 1), dtype=jnp.float32) * (1.0 / np.sqrt(16.0))
    b2 = jnp.zeros((1,), dtype=jnp.float32)
    return {"x": x, "edge_index": edge_index, "W1": W1, "b1": b1, "W2": W2, "b2": b2}


def _gcn_conv(x, edge_index, W, b):
    # Faithful PyG GCNConv: add self-loops, symmetric deg^{-1/2} normalization,
    # linear transform, gather from src, scatter-add to dst, add bias.
    N = x.shape[0]
    src = edge_index[0]
    dst = edge_index[1]
    loop = jnp.arange(N, dtype=edge_index.dtype)
    src = jnp.concatenate([src, loop])
    dst = jnp.concatenate([dst, loop])
    ones = jnp.ones(src.shape[0], dtype=x.dtype)
    deg = jax.ops.segment_sum(ones, dst, num_segments=N)
    deg_inv_sqrt = jnp.where(deg > 0, deg ** -0.5, 0.0)
    norm = deg_inv_sqrt[src] * deg_inv_sqrt[dst]
    h = x @ W
    msg = jnp.take(h, src, axis=0) * norm[:, None]
    out = jax.ops.segment_sum(msg, dst, num_segments=N)
    return out + b


def reference(x, edge_index, W1, b1, W2, b2):
    h = _gcn_conv(x, edge_index, W1, b1)
    h = jax.nn.relu(h)
    out = _gcn_conv(h, edge_index, W2, b2)
    return out

if __name__ == "__main__":
    import jax
    _d = setup_inputs()
    print(jax.jit(kernel)(*tuple(_d.values())))

</pallas_src>

<mosaic_0001>
#map = affine_map<(d0, d1) -> (0, 0)>
#map1 = affine_map<(d0, d1) -> (0)>
module attributes {stable_mosaic.version = 14 : i64} {
  func.func @_sc_layer1(%arg0: i32, %arg1: i32, %arg2: memref<100000x16xf32, #tpu.memory_space<hbm>>, %arg3: memref<6400000xi32, #tpu.memory_space<hbm>>, %arg4: memref<6400000xi32, #tpu.memory_space<hbm>>, %arg5: memref<200704x16xf32, #tpu.memory_space<hbm>>, %arg6: memref<1000xi32, #tpu.memory_space<vmem>>, %arg7: memref<1000xi32, #tpu.memory_space<vmem>>, %arg8: memref<1000x16xf32, #tpu.memory_space<vmem>>, %arg9: memref<100352x16xf32, #tpu.memory_space<vmem_shared>>) attributes {dimension_semantics = [#tpu.dimension_semantics<core_parallel>, #tpu.dimension_semantics<subcore_parallel>], iteration_bounds = array<i64: 2, 16>, scalar_prefetch = 0 : i64, scratch_operands = 4 : i64, tpu.core_type = #tpu.core_type<sc_vector_subcore>, window_params = [{transform_indices = #map}, {transform_indices = #map1}, {transform_indices = #map1}, {transform_indices = #map}]} {
    %mul3A = arith.constant 2 : i32
    %mul3A_0 = arith.muli %arg1, %mul3A : i32
    %add3A = arith.addi %mul3A_0, %arg0 : i32
    %scan3A = arith.constant 0 : i32
    %scan3A_1 = arith.constant 1000 : i32
    %scan3A_2 = arith.addi %scan3A, %scan3A_1 : i32
    %scan3A_3 = arith.constant 1 : i32
    scf.for %scan3A_29 = %scan3A to %scan3A_2 step %scan3A_3  : i32 {
      %mul3A_30 = arith.constant 1 : i32
      %mul3A_31 = arith.muli %scan3A_29, %mul3A_30 : i32
      %add3A_32 = arith.constant 0 : i32
      %add3A_33 = arith.addi %add3A_32, %mul3A_31 : i32
      %broadcast_in_dim3A = arith.constant 0.000000e+00 : f32
      %broadcast_in_dim3A_34 = vector.broadcast %broadcast_in_dim3A : f32 to vector<16xf32>
      %swap3A = arith.index_cast %add3A_33 : i32 to index
      %swap3A_35 = arith.constant 0 : index
      %swap3A_36 = tpu.vector_load %arg8[%swap3A, %swap3A_35] {strides = array<i32>} : memref<1000x16xf32, #tpu.memory_space<vmem>>, vector<1x16xf32>,
      %swap3A_37 = vector.shape_cast %swap3A_36 : vector<1x16xf32> to vector<16xf32>
      %swap3A_38 = vector.shape_cast %broadcast_in_dim3A_34 : vector<16xf32> to vector<1x16xf32>
      tpu.vector_store %arg8[%swap3A, %swap3A_35], %swap3A_38 {strides = array<i32>} : memref<1000x16xf32, #tpu.memory_space<vmem>>, vector<1x16xf32>,
    }
    %scan3A_4 = arith.constant 1000 : i32
    %scan3A_5 = arith.constant 0 : i32
    %scan3A_6 = arith.constant 6 : i32
    %scan3A_7 = arith.addi %scan3A_5, %scan3A_6 : i32
    %scan3A_8 = arith.constant 1 : i32
    scf.for %scan3A_29 = %scan3A_5 to %scan3A_7 step %scan3A_8  : i32 {
      %mul3A_30 = arith.constant 1 : i32
      %mul3A_31 = arith.muli %scan3A_29, %mul3A_30 : i32
      %add3A_32 = arith.constant 0 : i32
      %add3A_33 = arith.addi %add3A_32, %mul3A_31 : i32
      %mul3A_34 = arith.constant 6272 : i32
      %mul3A_35 = arith.muli %arg1, %mul3A_34 : i32
      %mul3A_36 = arith.constant 1000 : i32
      %mul3A_37 = arith.muli %add3A_33, %mul3A_36 : i32
      %add3A_38 = arith.addi %mul3A_35, %mul3A_37 : i32
      "tpu.region"() ({
        %run_scoped3A = tpu.sem_alloc : memref<!tpu.dma_semaphore, #tpu.memory_space<semaphore_mem>>
        %dma_start3A = arith.constant 0 : i32
        %dma_start3A_39 = tpu.memref_slice %arg9[%add3A_38, %dma_start3A] : memref<100352x16xf32, #tpu.memory_space<vmem_shared>> -> memref<1000x16xf32, #tpu.memory_space<vmem_shared>>
        %dma_start3A_40 = arith.constant 0 : i32
        %dma_start3A_41 = tpu.memref_slice %arg9[%add3A_38, %dma_start3A_40] : memref<100352x16xf32, #tpu.memory_space<vmem_shared>> -> memref<1000x16xf32, #tpu.memory_space<vmem_shared>>
        tpu.enqueue_dma source(%arg8 : memref<1000x16xf32, #tpu.memory_space<vmem>>) target(%dma_start3A_41 : memref<1000x16xf32, #tpu.memory_space<vmem_shared>>) target_semaphore(%run_scoped3A : memref<!tpu.dma_semaphore, #tpu.memory_space<semaphore_mem>>)
        %dma_wait3A = arith.constant 0 : i32
        %dma_wait3A_42 = tpu.memref_slice %arg9[%add3A_38, %dma_wait3A] : memref<100352x16xf32, #tpu.memory_space<vmem_shared>> -> memref<1000x16xf32, #tpu.memory_space<vmem_shared>>
        %dma_wait3A_43 = arith.constant 0 : i32
        %dma_wait3A_44 = tpu.memref_slice %arg9[%add3A_38, %dma_wait3A_43] : memref<100352x16xf32, #tpu.memory_space<vmem_shared>> -> memref<1000x16xf32, #tpu.memory_space<vmem_shared>>
        tpu.wait_dma2 semaphore(%run_scoped3A : memref<!tpu.dma_semaphore, #tpu.memory_space<semaphore_mem>>) src(%arg8 : memref<1000x16xf32, #tpu.memory_space<vmem>>) dst(%dma_wait3A_44 : memref<1000x16xf32, #tpu.memory_space<vmem_shared>>)
        tpu.yield
      }) : () -> ()
    }
    %scan3A_9 = arith.constant 6 : i32
    %mul3A_10 = arith.constant 6272 : i32
    %mul3A_11 = arith.muli %arg1, %mul3A_10 : i32
    %add3A_12 = arith.constant 6000 : i32
    %add3A_13 = arith.addi %mul3A_11, %add3A_12 : i32
    "tpu.region"() ({
      %run_scoped3A = tpu.sem_alloc : memref<!tpu.dma_semaphore, #tpu.memory_space<semaphore_mem>>
      %dma_start3A = arith.constant 0 : i32
      %dma_start3A_29 = arith.constant 0 : i32
      %dma_start3A_30 = tpu.memref_slice %arg8[%dma_start3A, %dma_start3A_29] : memref<1000x16xf32, #tpu.memory_space<vmem>> -> memref<272x16xf32, #tpu.memory_space<vmem>>
      %dma_start3A_31 = arith.constant 0 : i32
      %dma_start3A_32 = tpu.memref_slice %arg9[%add3A_13, %dma_start3A_31] : memref<100352x16xf32, #tpu.memory_space<vmem_shared>> -> memref<272x16xf32, #tpu.memory_space<vmem_shared>>
      %dma_start3A_33 = arith.constant 0 : i32
      %dma_start3A_34 = tpu.memref_slice %arg9[%add3A_13, %dma_start3A_33] : memref<100352x16xf32, #tpu.memory_space<vmem_shared>> -> memref<272x16xf32, #tpu.memory_space<vmem_shared>>
      %dma_start3A_35 = arith.constant 0 : i32
      %dma_start3A_36 = arith.constant 0 : i32
      %dma_start3A_37 = tpu.memref_slice %arg8[%dma_start3A_35, %dma_start3A_36] : memref<1000x16xf32, #tpu.memory_space<vmem>> -> memref<272x16xf32, #tpu.memory_space<vmem>>
      tpu.enqueue_dma source(%dma_start3A_37 : memref<272x16xf32, #tpu.memory_space<vmem>>) target(%dma_start3A_34 : memref<272x16xf32, #tpu.memory_space<vmem_shared>>) target_semaphore(%run_scoped3A : memref<!tpu.dma_semaphore, #tpu.memory_space<semaphore_mem>>)
      %dma_wait3A = arith.constant 0 : i32
      %dma_wait3A_38 = arith.constant 0 : i32
      %dma_wait3A_39 = tpu.memref_slice %arg8[%dma_wait3A, %dma_wait3A_38] : memref<1000x16xf32, #tpu.memory_space<vmem>> -> memref<272x16xf32, #tpu.memory_space<vmem>>
      %dma_wait3A_40 = arith.constant 0 : i32
      %dma_wait3A_41 = tpu.memref_slice %arg9[%add3A_13, %dma_wait3A_40] : memref<100352x16xf32, #tpu.memory_space<vmem_shared>> -> memref<272x16xf32, #tpu.memory_space<vmem_shared>>
      %dma_wait3A_42 = arith.constant 0 : i32
      %dma_wait3A_43 = tpu.memref_slice %arg9[%add3A_13, %dma_wait3A_42] : memref<100352x16xf32, #tpu.memory_space<vmem_shared>> -> memref<272x16xf32, #tpu.memory_space<vmem_shared>>
      %dma_wait3A_44 = arith.constant 0 : i32
      %dma_wait3A_45 = arith.constant 0 : i32
      %dma_wait3A_46 = tpu.memref_slice %arg8[%dma_wait3A_44, %dma_wait3A_45] : memref<1000x16xf32, #tpu.memory_space<vmem>> -> memref<272x16xf32, #tpu.memory_space<vmem>>
      tpu.wait_dma2 semaphore(%run_scoped3A : memref<!tpu.dma_semaphore, #tpu.memory_space<semaphore_mem>>) src(%dma_wait3A_46 : memref<272x16xf32, #tpu.memory_space<vmem>>) dst(%dma_wait3A_43 : memref<272x16xf32, #tpu.memory_space<vmem_shared>>)
      tpu.yield
    }) : () -> ()
    %barrier3A = arith.constant 0 : index
    tpu.barrier barrier_id(%barrier3A)
    %mul3A_14 = arith.constant 200000 : i32
    %mul3A_15 = arith.muli %add3A, %mul3A_14 : i32
    %scan3A_16 = arith.constant 0 : i32
    %scan3A_17 = arith.constant 200 : i32
    %scan3A_18 = arith.addi %scan3A_16, %scan3A_17 : i32
    %scan3A_19 = arith.constant 1 : i32
    scf.for %scan3A_29 = %scan3A_16 to %scan3A_18 step %scan3A_19  : i32 {
      %mul3A_30 = arith.constant 1 : i32
      %mul3A_31 = arith.muli %scan3A_29, %mul3A_30 : i32
      %add3A_32 = arith.constant 0 : i32
      %add3A_33 = arith.addi %add3A_32, %mul3A_31 : i32
      %mul3A_34 = arith.constant 1000 : i32
      %mul3A_35 = arith.muli %add3A_33, %mul3A_34 : i32
      %add3A_36 = arith.addi %mul3A_15, %mul3A_35 : i32
      "tpu.region"() ({
        %run_scoped3A = tpu.sem_alloc : memref<!tpu.dma_semaphore, #tpu.memory_space<semaphore_mem>>
        %dma_start3A = tpu.memref_slice %arg3[%add3A_36] : memref<6400000xi32, #tpu.memory_space<hbm>> -> memref<1000xi32, #tpu.memory_space<hbm>>
        %dma_start3A_40 = tpu.memref_slice %arg3[%add3A_36] : memref<6400000xi32, #tpu.memory_space<hbm>> -> memref<1000xi32, #tpu.memory_space<hbm>>
        tpu.enqueue_dma source(%dma_start3A_40 : memref<1000xi32, #tpu.memory_space<hbm>>) target(%arg6 : memref<1000xi32, #tpu.memory_space<vmem>>) target_semaphore(%run_scoped3A : memref<!tpu.dma_semaphore, #tpu.memory_space<semaphore_mem>>)
        %dma_wait3A = tpu.memref_slice %arg3[%add3A_36] : memref<6400000xi32, #tpu.memory_space<hbm>> -> memref<1000xi32, #tpu.memory_space<hbm>>
        %dma_wait3A_41 = tpu.memref_slice %arg3[%add3A_36] : memref<6400000xi32, #tpu.memory_space<hbm>> -> memref<1000xi32, #tpu.memory_space<hbm>>
        tpu.wait_dma2 semaphore(%run_scoped3A : memref<!tpu.dma_semaphore, #tpu.memory_space<semaphore_mem>>) src(%dma_wait3A_41 : memref<1000xi32, #tpu.memory_space<hbm>>) dst(%arg6 : memref<1000xi32, #tpu.memory_space<vmem>>)
        tpu.yield
      }) : () -> ()
      %mul3A_37 = arith.constant 1000 : i32
      %mul3A_38 = arith.muli %add3A_33, %mul3A_37 : i32
      %add3A_39 = arith.addi %mul3A_15, %mul3A_38 : i32
      "tpu.region"() ({
        %run_scoped3A = tpu.sem_alloc : memref<!tpu.dma_semaphore, #tpu.memory_space<semaphore_mem>>
        %dma_start3A = tpu.memref_slice %arg4[%add3A_39] : memref<6400000xi32, #tpu.memory_space<hbm>> -> memref<1000xi32, #tpu.memory_space<hbm>>
        %dma_start3A_40 = tpu.memref_slice %arg4[%add3A_39] : memref<6400000xi32, #tpu.memory_space<hbm>> -> memref<1000xi32, #tpu.memory_space<hbm>>
        tpu.enqueue_dma source(%dma_start3A_40 : memref<1000xi32, #tpu.memory_space<hbm>>) target(%arg7 : memref<1000xi32, #tpu.memory_space<vmem>>) target_semaphore(%run_scoped3A : memref<!tpu.dma_semaphore, #tpu.memory_space<semaphore_mem>>)
        %dma_wait3A = tpu.memref_slice %arg4[%add3A_39] : memref<6400000xi32, #tpu.memory_space<hbm>> -> memref<1000xi32, #tpu.memory_space<hbm>>
        %dma_wait3A_41 = tpu.memref_slice %arg4[%add3A_39] : memref<6400000xi32, #tpu.memory_space<hbm>> -> memref<1000xi32, #tpu.memory_space<hbm>>
        tpu.wait_dma2 semaphore(%run_scoped3A : memref<!tpu.dma_semaphore, #tpu.memory_space<semaphore_mem>>) src(%dma_wait3A_41 : memref<1000xi32, #tpu.memory_space<hbm>>) dst(%arg7 : memref<1000xi32, #tpu.memory_space<vmem>>)
        tpu.yield
      }) : () -> ()
      "tpu.region"() ({
        %run_scoped3A = tpu.sem_alloc : memref<!tpu.dma_semaphore, #tpu.memory_space<semaphore_mem>>
        %dma_start3A = arith.constant 0 : i32
        %dma_start3A_40 = arith.constant 0 : i32
        %dma_start3A_41 = tpu.memref_slice %arg2[%dma_start3A, %dma_start3A_40] : memref<100000x16xf32, #tpu.memory_space<hbm>> -> memref<100000x16xf32, #tpu.memory_space<hbm>>
        tpu.enqueue_indirect_dma source(%dma_start3A_41 : memref<100000x16xf32, #tpu.memory_space<hbm>>) target(%arg8 : memref<1000x16xf32, #tpu.memory_space<vmem>>) offsets(%arg6 : memref<1000xi32, #tpu.memory_space<vmem>>) semaphore(%run_scoped3A : memref<!tpu.dma_semaphore, #tpu.memory_space<semaphore_mem>>)
        %dma_wait3A = arith.constant 0 : i32
        %dma_wait3A_42 = arith.constant 0 : i32
        %dma_wait3A_43 = tpu.memref_slice %arg2[%dma_wait3A, %dma_wait3A_42] : memref<100000x16xf32, #tpu.memory_space<hbm>> -> memref<100000x16xf32, #tpu.memory_space<hbm>>
        tpu.wait_indirect_dma semaphore(%run_scoped3A : memref<!tpu.dma_semaphore, #tpu.memory_space<semaphore_mem>>) src(%dma_wait3A_43 : memref<100000x16xf32, #tpu.memory_space<hbm>>) dst(%arg8 : memref<1000x16xf32, #tpu.memory_space<vmem>>)
        tpu.yield
      }) : () -> ()
      "tpu.region"() ({
        %run_scoped3A = tpu.sem_alloc : memref<!tpu.dma_semaphore, #tpu.memory_space<semaphore_mem>>
        %dma_start3A = arith.constant 0 : i32
        %dma_start3A_40 = arith.constant 0 : i32
        %dma_start3A_41 = tpu.memref_slice %arg9[%dma_start3A, %dma_start3A_40] : memref<100352x16xf32, #tpu.memory_space<vmem_shared>> -> memref<100352x16xf32, #tpu.memory_space<vmem_shared>>
        tpu.enqueue_indirect_dma source(%arg8 : memref<1000x16xf32, #tpu.memory_space<vmem>>) target(%dma_start3A_41 : memref<100352x16xf32, #tpu.memory_space<vmem_shared>>) offsets(%arg7 : memref<1000xi32, #tpu.memory_space<vmem>>) semaphore(%run_scoped3A : memref<!tpu.dma_semaphore, #tpu.memory_space<semaphore_mem>>) {add = true}
        %dma_wait3A = arith.constant 0 : i32
        %dma_wait3A_42 = arith.constant 0 : i32
        %dma_wait3A_43 = tpu.memref_slice %arg9[%dma_wait3A, %dma_wait3A_42] : memref<100352x16xf32, #tpu.memory_space<vmem_shared>> -> memref<100352x16xf32, #tpu.memory_space<vmem_shared>>
        tpu.wait_indirect_dma semaphore(%run_scoped3A : memref<!tpu.dma_semaphore, #tpu.memory_space<semaphore_mem>>) src(%arg8 : memref<1000x16xf32, #tpu.memory_space<vmem>>) dst(%dma_wait3A_43 : memref<100352x16xf32, #tpu.memory_space<vmem_shared>>)
        tpu.yield
      }) : () -> ()
    }
    %scan3A_20 = arith.constant 200 : i32
    %barrier3A_21 = arith.constant 0 : index
    tpu.barrier barrier_id(%barrier3A_21)
    %mul3A_22 = arith.constant 6272 : i32
    %mul3A_23 = arith.muli %arg1, %mul3A_22 : i32
    %mul3A_24 = arith.constant 100352 : i32
    %mul3A_25 = arith.muli %arg0, %mul3A_24 : i32
    %mul3A_26 = arith.constant 6272 : i32
    %mul3A_27 = arith.muli %arg1, %mul3A_26 : i32
    %add3A_28 = arith.addi %mul3A_25, %mul3A_27 : i32
    "tpu.region"() ({
      %run_scoped3A = tpu.sem_alloc : memref<!tpu.dma_semaphore, #tpu.memory_space<semaphore_mem>>
      %dma_start3A = arith.constant 0 : i32
      %dma_start3A_29 = tpu.memref_slice %arg5[%add3A_28, %dma_start3A] : memref<200704x16xf32, #tpu.memory_space<hbm>> -> memref<6272x16xf32, #tpu.memory_space<hbm>>
      %dma_start3A_30 = arith.constant 0 : i32
      %dma_start3A_31 = tpu.memref_slice %arg9[%mul3A_23, %dma_start3A_30] : memref<100352x16xf32, #tpu.memory_space<vmem_shared>> -> memref<6272x16xf32, #tpu.memory_space<vmem_shared>>
      tpu.enqueue_dma source(%dma_start3A_31 : memref<6272x16xf32, #tpu.memory_space<vmem_shared>>) target(%dma_start3A_29 : memref<6272x16xf32, #tpu.memory_space<hbm>>) target_semaphore(%run_scoped3A : memref<!tpu.dma_semaphore, #tpu.memory_space<semaphore_mem>>)
      %dma_wait3A = arith.constant 0 : i32
      %dma_wait3A_32 = tpu.memref_slice %arg5[%add3A_28, %dma_wait3A] : memref<200704x16xf32, #tpu.memory_space<hbm>> -> memref<6272x16xf32, #tpu.memory_space<hbm>>
      %dma_wait3A_33 = arith.constant 0 : i32
      %dma_wait3A_34 = tpu.memref_slice %arg9[%mul3A_23, %dma_wait3A_33] : memref<100352x16xf32, #tpu.memory_space<vmem_shared>> -> memref<6272x16xf32, #tpu.memory_space<vmem_shared>>
      tpu.wait_dma2 semaphore(%run_scoped3A : memref<!tpu.dma_semaphore, #tpu.memory_space<semaphore_mem>>) src(%dma_wait3A_34 : memref<6272x16xf32, #tpu.memory_space<vmem_shared>>) dst(%dma_wait3A_32 : memref<6272x16xf32, #tpu.memory_space<hbm>>)
      tpu.yield
    }) : () -> ()
    return
  }
}

#map = affine_map<(d0, d1) -> (0)>
module attributes {stable_mosaic.version = 14 : i64} {
  func.func @_sc_degree(%arg0: i32, %arg1: i32, %arg2: memref<6400000xi32, #tpu.memory_space<hbm>>, %arg3: memref<200704xf32, #tpu.memory_space<hbm>>, %arg4: memref<2000xi32, #tpu.memory_space<vmem>>, %arg5: memref<2000xf32, #tpu.memory_space<vmem>>, %arg6: memref<6272xf32, #tpu.memory_space<vmem>>, %arg7: memref<100352xf32, #tpu.memory_space<vmem_shared>>) attributes {dimension_semantics = [#tpu.dimension_semantics<core_parallel>, #tpu.dimension_semantics<subcore_parallel>], iteration_bounds = array<i64: 2, 16>, scalar_prefetch = 0 : i64, scratch_operands = 4 : i64, tpu.core_type = #tpu.core_type<sc_vector_subcore>, window_params = [{transform_indices = #map}, {transform_indices = #map}]} {
    %mul3A = arith.constant 2 : i32
    %mul3A_0 = arith.muli %arg1, %mul3A : i32
    %add3A = arith.addi %mul3A_0, %arg0 : i32
    %scan3A = arith.constant 0 : i32
    %scan3A_1 = arith.constant 125 : i32
    %scan3A_2 = arith.addi %scan3A, %scan3A_1 : i32
    %scan3A_3 = arith.constant 1 : i32
    scf.for %scan3A_27 = %scan3A to %scan3A_2 step %scan3A_3  : i32 {
      %mul3A_28 = arith.constant 16 : i32
      %mul3A_29 = arith.muli %scan3A_27, %mul3A_28 : i32
      %add3A_30 = arith.constant 0 : i32
      %add3A_31 = arith.addi %add3A_30, %mul3A_29 : i32
      %broadcast_in_dim3A = arith.constant 1.000000e+00 : f32
      %broadcast_in_dim3A_32 = vector.broadcast %broadcast_in_dim3A : f32 to vector<16xf32>
      %swap3A = arith.index_cast %add3A_31 : i32 to index
      %swap3A_33 = tpu.vector_load %arg5[%swap3A] {strides = array<i32>} : memref<2000xf32, #tpu.memory_space<vmem>>, vector<16xf32>,
      %swap3A_34 = vector.shape_cast %swap3A_33 : vector<16xf32> to vector<16xf32>
      %swap3A_35 = vector.shape_cast %broadcast_in_dim3A_32 : vector<16xf32> to vector<16xf32>
      tpu.vector_store %arg5[%swap3A], %swap3A_35 {strides = array<i32>} : memref<2000xf32, #tpu.memory_space<vmem>>, vector<16xf32>,
    }
    %scan3A_4 = arith.constant 125 : i32
    %scan3A_5 = arith.constant 0 : i32
    %scan3A_6 = arith.constant 392 : i32
    %scan3A_7 = arith.addi %scan3A_5, %scan3A_6 : i32
    %scan3A_8 = arith.constant 1 : i32
    scf.for %scan3A_27 = %scan3A_5 to %scan3A_7 step %scan3A_8  : i32 {
      %mul3A_28 = arith.constant 16 : i32
      %mul3A_29 = arith.muli %scan3A_27, %mul3A_28 : i32
      %add3A_30 = arith.constant 0 : i32
      %add3A_31 = arith.addi %add3A_30, %mul3A_29 : i32
      %broadcast_in_dim3A = arith.constant 0.000000e+00 : f32
      %broadcast_in_dim3A_32 = vector.broadcast %broadcast_in_dim3A : f32 to vector<16xf32>
      %swap3A = arith.index_cast %add3A_31 : i32 to index
      %swap3A_33 = tpu.vector_load %arg6[%swap3A] {strides = array<i32>} : memref<6272xf32, #tpu.memory_space<vmem>>, vector<16xf32>,
      %swap3A_34 = vector.shape_cast %swap3A_33 : vector<16xf32> to vector<16xf32>
      %swap3A_35 = vector.shape_cast %broadcast_in_dim3A_32 : vector<16xf32> to vector<16xf32>
      tpu.vector_store %arg6[%swap3A], %swap3A_35 {strides = array<i32>} : memref<6272xf32, #tpu.memory_space<vmem>>, vector<16xf32>,
    }
    %scan3A_9 = arith.constant 392 : i32
    %mul3A_10 = arith.constant 6272 : i32
    %mul3A_11 = arith.muli %arg1, %mul3A_10 : i32
    "tpu.region"() ({
      %run_scoped3A = tpu.sem_alloc : memref<!tpu.dma_semaphore, #tpu.memory_space<semaphore_mem>>
      %dma_start3A = tpu.memref_slice %arg7[%mul3A_11] : memref<100352xf32, #tpu.memory_space<vmem_shared>> -> memref<6272xf32, #tpu.memory_space<vmem_shared>>
      %dma_start3A_27 = tpu.memref_slice %arg7[%mul3A_11] : memref<100352xf32, #tpu.memory_space<vmem_shared>> -> memref<6272xf32, #tpu.memory_space<vmem_shared>>
      tpu.enqueue_dma source(%arg6 : memref<6272xf32, #tpu.memory_space<vmem>>) target(%dma_start3A_27 : memref<6272xf32, #tpu.memory_space<vmem_shared>>) target_semaphore(%run_scoped3A : memref<!tpu.dma_semaphore, #tpu.memory_space<semaphore_mem>>)
      %dma_wait3A = tpu.memref_slice %arg7[%mul3A_11] : memref<100352xf32, #tpu.memory_space<vmem_shared>> -> memref<6272xf32, #tpu.memory_space<vmem_shared>>
      %dma_wait3A_28 = tpu.memref_slice %arg7[%mul3A_11] : memref<100352xf32, #tpu.memory_space<vmem_shared>> -> memref<6272xf32, #tpu.memory_space<vmem_shared>>
      tpu.wait_dma2 semaphore(%run_scoped3A : memref<!tpu.dma_semaphore, #tpu.memory_space<semaphore_mem>>) src(%arg6 : memref<6272xf32, #tpu.memory_space<vmem>>) dst(%dma_wait3A_28 : memref<6272xf32, #tpu.memory_space<vmem_shared>>)
      tpu.yield
    }) : () -> ()
    %barrier3A = arith.constant 0 : index
    tpu.barrier barrier_id(%barrier3A)
    %mul3A_12 = arith.constant 200000 : i32
    %mul3A_13 = arith.muli %add3A, %mul3A_12 : i32
    %scan3A_14 = arith.constant 0 : i32
    %scan3A_15 = arith.constant 100 : i32
    %scan3A_16 = arith.addi %scan3A_14, %scan3A_15 : i32
    %scan3A_17 = arith.constant 1 : i32
    scf.for %scan3A_27 = %scan3A_14 to %scan3A_16 step %scan3A_17  : i32 {
      %mul3A_28 = arith.constant 1 : i32
      %mul3A_29 = arith.muli %scan3A_27, %mul3A_28 : i32
      %add3A_30 = arith.constant 0 : i32
      %add3A_31 = arith.addi %add3A_30, %mul3A_29 : i32
      %mul3A_32 = arith.constant 2000 : i32
      %mul3A_33 = arith.muli %add3A_31, %mul3A_32 : i32
      %add3A_34 = arith.addi %mul3A_13, %mul3A_33 : i32
      "tpu.region"() ({
        %run_scoped3A = tpu.sem_alloc : memref<!tpu.dma_semaphore, #tpu.memory_space<semaphore_mem>>
        %dma_start3A = tpu.memref_slice %arg2[%add3A_34] : memref<6400000xi32, #tpu.memory_space<hbm>> -> memref<2000xi32, #tpu.memory_space<hbm>>
        %dma_start3A_35 = tpu.memref_slice %arg2[%add3A_34] : memref<6400000xi32, #tpu.memory_space<hbm>> -> memref<2000xi32, #tpu.memory_space<hbm>>
        tpu.enqueue_dma source(%dma_start3A_35 : memref<2000xi32, #tpu.memory_space<hbm>>) target(%arg4 : memref<2000xi32, #tpu.memory_space<vmem>>) target_semaphore(%run_scoped3A : memref<!tpu.dma_semaphore, #tpu.memory_space<semaphore_mem>>)
        %dma_wait3A = tpu.memref_slice %arg2[%add3A_34] : memref<6400000xi32, #tpu.memory_space<hbm>> -> memref<2000xi32, #tpu.memory_space<hbm>>
        %dma_wait3A_36 = tpu.memref_slice %arg2[%add3A_34] : memref<6400000xi32, #tpu.memory_space<hbm>> -> memref<2000xi32, #tpu.memory_space<hbm>>
        tpu.wait_dma2 semaphore(%run_scoped3A : memref<!tpu.dma_semaphore, #tpu.memory_space<semaphore_mem>>) src(%dma_wait3A_36 : memref<2000xi32, #tpu.memory_space<hbm>>) dst(%arg4 : memref<2000xi32, #tpu.memory_space<vmem>>)
        tpu.yield
      }) : () -> ()
      "tpu.region"() ({
        %run_scoped3A = tpu.sem_alloc : memref<!tpu.dma_semaphore, #tpu.memory_space<semaphore_mem>>
        %dma_start3A = arith.constant 0 : i32
        %dma_start3A_35 = tpu.memref_slice %arg7[%dma_start3A] : memref<100352xf32, #tpu.memory_space<vmem_shared>> -> memref<100352xf32, #tpu.memory_space<vmem_shared>>
        tpu.enqueue_indirect_dma source(%arg5 : memref<2000xf32, #tpu.memory_space<vmem>>) target(%dma_start3A_35 : memref<100352xf32, #tpu.memory_space<vmem_shared>>) offsets(%arg4 : memref<2000xi32, #tpu.memory_space<vmem>>) semaphore(%run_scoped3A : memref<!tpu.dma_semaphore, #tpu.memory_space<semaphore_mem>>) {add = true}
        %dma_wait3A = arith.constant 0 : i32
        %dma_wait3A_36 = tpu.memref_slice %arg7[%dma_wait3A] : memref<100352xf32, #tpu.memory_space<vmem_shared>> -> memref<100352xf32, #tpu.memory_space<vmem_shared>>
        tpu.wait_indirect_dma semaphore(%run_scoped3A : memref<!tpu.dma_semaphore, #tpu.memory_space<semaphore_mem>>) src(%arg5 : memref<2000xf32, #tpu.memory_space<vmem>>) dst(%dma_wait3A_36 : memref<100352xf32, #tpu.memory_space<vmem_shared>>)
        tpu.yield
      }) : () -> ()
    }
    %scan3A_18 = arith.constant 100 : i32
    %barrier3A_19 = arith.constant 0 : index
    tpu.barrier barrier_id(%barrier3A_19)
    %mul3A_20 = arith.constant 6272 : i32
    %mul3A_21 = arith.muli %arg1, %mul3A_20 : i32
    %mul3A_22 = arith.constant 100352 : i32
    %mul3A_23 = arith.muli %arg0, %mul3A_22 : i32
    %mul3A_24 = arith.constant 6272 : i32
    %mul3A_25 = arith.muli %arg1, %mul3A_24 : i32
    %add3A_26 = arith.addi %mul3A_23, %mul3A_25 : i32
    "tpu.region"() ({
      %run_scoped3A = tpu.sem_alloc : memref<!tpu.dma_semaphore, #tpu.memory_space<semaphore_mem>>
      %dma_start3A = tpu.memref_slice %arg3[%add3A_26] : memref<200704xf32, #tpu.memory_space<hbm>> -> memref<6272xf32, #tpu.memory_space<hbm>>
      %dma_start3A_27 = tpu.memref_slice %arg7[%mul3A_21] : memref<100352xf32, #tpu.memory_space<vmem_shared>> -> memref<6272xf32, #tpu.memory_space<vmem_shared>>
      tpu.enqueue_dma source(%dma_start3A_27 : memref<6272xf32, #tpu.memory_space<vmem_shared>>) target(%dma_start3A : memref<6272xf32, #tpu.memory_space<hbm>>) target_semaphore(%run_scoped3A : memref<!tpu.dma_semaphore, #tpu.memory_space<semaphore_mem>>)
      %dma_wait3A = tpu.memref_slice %arg3[%add3A_26] : memref<200704xf32, #tpu.memory_space<hbm>> -> memref<6272xf32, #tpu.memory_space<hbm>>
      %dma_wait3A_28 = tpu.memref_slice %arg7[%mul3A_21] : memref<100352xf32, #tpu.memory_space<vmem_shared>> -> memref<6272xf32, #tpu.memory_space<vmem_shared>>
      tpu.wait_dma2 semaphore(%run_scoped3A : memref<!tpu.dma_semaphore, #tpu.memory_space<semaphore_mem>>) src(%dma_wait3A_28 : memref<6272xf32, #tpu.memory_space<vmem_shared>>) dst(%dma_wait3A : memref<6272xf32, #tpu.memory_space<hbm>>)
      tpu.yield
    }) : () -> ()
    return
  }
}

#map = affine_map<(d0, d1) -> (0)>
module attributes {stable_mosaic.version = 14 : i64} {
  func.func @_sc_layer2(%arg0: i32, %arg1: i32, %arg2: memref<100352xf32, #tpu.memory_space<hbm>>, %arg3: memref<6400000xi32, #tpu.memory_space<hbm>>, %arg4: memref<6400000xi32, #tpu.memory_space<hbm>>, %arg5: memref<200704xf32, #tpu.memory_space<hbm>>, %arg6: memref<2000xi32, #tpu.memory_space<vmem>>, %arg7: memref<2000xi32, #tpu.memory_space<vmem>>, %arg8: memref<2000xf32, #tpu.memory_space<vmem>>, %arg9: memref<6272xf32, #tpu.memory_space<vmem>>, %arg10: memref<100352xf32, #tpu.memory_space<vmem_shared>>, %arg11: memref<100352xf32, #tpu.memory_space<vmem_shared>>) attributes {dimension_semantics = [#tpu.dimension_semantics<core_parallel>, #tpu.dimension_semantics<subcore_parallel>], iteration_bounds = array<i64: 2, 16>, scalar_prefetch = 0 : i64, scratch_operands = 6 : i64, tpu.core_type = #tpu.core_type<sc_vector_subcore>, window_params = [{transform_indices = #map}, {transform_indices = #map}, {transform_indices = #map}, {transform_indices = #map}]} {
    %mul3A = arith.constant 2 : i32
    %mul3A_0 = arith.muli %arg1, %mul3A : i32
    %add3A = arith.addi %mul3A_0, %arg0 : i32
    %scan3A = arith.constant 0 : i32
    %scan3A_1 = arith.constant 392 : i32
    %scan3A_2 = arith.addi %scan3A, %scan3A_1 : i32
    %scan3A_3 = arith.constant 1 : i32
    scf.for %scan3A_26 = %scan3A to %scan3A_2 step %scan3A_3  : i32 {
      %mul3A_27 = arith.constant 16 : i32
      %mul3A_28 = arith.muli %scan3A_26, %mul3A_27 : i32
      %add3A_29 = arith.constant 0 : i32
      %add3A_30 = arith.addi %add3A_29, %mul3A_28 : i32
      %broadcast_in_dim3A = arith.constant 0.000000e+00 : f32
      %broadcast_in_dim3A_31 = vector.broadcast %broadcast_in_dim3A : f32 to vector<16xf32>
      %swap3A = arith.index_cast %add3A_30 : i32 to index
      %swap3A_32 = tpu.vector_load %arg9[%swap3A] {strides = array<i32>} : memref<6272xf32, #tpu.memory_space<vmem>>, vector<16xf32>,
      %swap3A_33 = vector.shape_cast %swap3A_32 : vector<16xf32> to vector<16xf32>
      %swap3A_34 = vector.shape_cast %broadcast_in_dim3A_31 : vector<16xf32> to vector<16xf32>
      tpu.vector_store %arg9[%swap3A], %swap3A_34 {strides = array<i32>} : memref<6272xf32, #tpu.memory_space<vmem>>, vector<16xf32>,
    }
    %scan3A_4 = arith.constant 392 : i32
    %mul3A_5 = arith.constant 6272 : i32
    %mul3A_6 = arith.muli %arg1, %mul3A_5 : i32
    "tpu.region"() ({
      %run_scoped3A = tpu.sem_alloc : memref<!tpu.dma_semaphore, #tpu.memory_space<semaphore_mem>>
      %dma_start3A = tpu.memref_slice %arg11[%mul3A_6] : memref<100352xf32, #tpu.memory_space<vmem_shared>> -> memref<6272xf32, #tpu.memory_space<vmem_shared>>
      %dma_start3A_26 = tpu.memref_slice %arg11[%mul3A_6] : memref<100352xf32, #tpu.memory_space<vmem_shared>> -> memref<6272xf32, #tpu.memory_space<vmem_shared>>
      tpu.enqueue_dma source(%arg9 : memref<6272xf32, #tpu.memory_space<vmem>>) target(%dma_start3A_26 : memref<6272xf32, #tpu.memory_space<vmem_shared>>) target_semaphore(%run_scoped3A : memref<!tpu.dma_semaphore, #tpu.memory_space<semaphore_mem>>)
      %dma_wait3A = tpu.memref_slice %arg11[%mul3A_6] : memref<100352xf32, #tpu.memory_space<vmem_shared>> -> memref<6272xf32, #tpu.memory_space<vmem_shared>>
      %dma_wait3A_27 = tpu.memref_slice %arg11[%mul3A_6] : memref<100352xf32, #tpu.memory_space<vmem_shared>> -> memref<6272xf32, #tpu.memory_space<vmem_shared>>
      tpu.wait_dma2 semaphore(%run_scoped3A : memref<!tpu.dma_semaphore, #tpu.memory_space<semaphore_mem>>) src(%arg9 : memref<6272xf32, #tpu.memory_space<vmem>>) dst(%dma_wait3A_27 : memref<6272xf32, #tpu.memory_space<vmem_shared>>)
      tpu.yield
    }) : () -> ()
    %mul3A_7 = arith.constant 6272 : i32
    %mul3A_8 = arith.muli %arg1, %mul3A_7 : i32
    %mul3A_9 = arith.constant 6272 : i32
    %mul3A_10 = arith.muli %arg1, %mul3A_9 : i32
    "tpu.region"() ({
      %run_scoped3A = tpu.sem_alloc : memref<!tpu.dma_semaphore, #tpu.memory_space<semaphore_mem>>
      %dma_start3A = tpu.memref_slice %arg10[%mul3A_10] : memref<100352xf32, #tpu.memory_space<vmem_shared>> -> memref<6272xf32, #tpu.memory_space<vmem_shared>>
      %dma_start3A_26 = tpu.memref_slice %arg2[%mul3A_8] : memref<100352xf32, #tpu.memory_space<hbm>> -> memref<6272xf32, #tpu.memory_space<hbm>>
      tpu.enqueue_dma source(%dma_start3A_26 : memref<6272xf32, #tpu.memory_space<hbm>>) target(%dma_start3A : memref<6272xf32, #tpu.memory_space<vmem_shared>>) target_semaphore(%run_scoped3A : memref<!tpu.dma_semaphore, #tpu.memory_space<semaphore_mem>>)
      %dma_wait3A = tpu.memref_slice %arg10[%mul3A_10] : memref<100352xf32, #tpu.memory_space<vmem_shared>> -> memref<6272xf32, #tpu.memory_space<vmem_shared>>
      %dma_wait3A_27 = tpu.memref_slice %arg2[%mul3A_8] : memref<100352xf32, #tpu.memory_space<hbm>> -> memref<6272xf32, #tpu.memory_space<hbm>>
      tpu.wait_dma2 semaphore(%run_scoped3A : memref<!tpu.dma_semaphore, #tpu.memory_space<semaphore_mem>>) src(%dma_wait3A_27 : memref<6272xf32, #tpu.memory_space<hbm>>) dst(%dma_wait3A : memref<6272xf32, #tpu.memory_space<vmem_shared>>)
      tpu.yield
    }) : () -> ()
    %barrier3A = arith.constant 0 : index
    tpu.barrier barrier_id(%barrier3A)
    %mul3A_11 = arith.constant 200000 : i32
    %mul3A_12 = arith.muli %add3A, %mul3A_11 : i32
    %scan3A_13 = arith.constant 0 : i32
    %scan3A_14 = arith.constant 100 : i32
    %scan3A_15 = arith.addi %scan3A_13, %scan3A_14 : i32
    %scan3A_16 = arith.constant 1 : i32
    scf.for %scan3A_26 = %scan3A_13 to %scan3A_15 step %scan3A_16  : i32 {
      %mul3A_27 = arith.constant 1 : i32
      %mul3A_28 = arith.muli %scan3A_26, %mul3A_27 : i32
      %add3A_29 = arith.constant 0 : i32
      %add3A_30 = arith.addi %add3A_29, %mul3A_28 : i32
      %mul3A_31 = arith.constant 2000 : i32
      %mul3A_32 = arith.muli %add3A_30, %mul3A_31 : i32
      %add3A_33 = arith.addi %mul3A_12, %mul3A_32 : i32
      "tpu.region"() ({
        %run_scoped3A = tpu.sem_alloc : memref<!tpu.dma_semaphore, #tpu.memory_space<semaphore_mem>>
        %dma_start3A = tpu.memref_slice %arg3[%add3A_33] : memref<6400000xi32, #tpu.memory_space<hbm>> -> memref<2000xi32, #tpu.memory_space<hbm>>
        %dma_start3A_37 = tpu.memref_slice %arg3[%add3A_33] : memref<6400000xi32, #tpu.memory_space<hbm>> -> memref<2000xi32, #tpu.memory_space<hbm>>
        tpu.enqueue_dma source(%dma_start3A_37 : memref<2000xi32, #tpu.memory_space<hbm>>) target(%arg6 : memref<2000xi32, #tpu.memory_space<vmem>>) target_semaphore(%run_scoped3A : memref<!tpu.dma_semaphore, #tpu.memory_space<semaphore_mem>>)
        %dma_wait3A = tpu.memref_slice %arg3[%add3A_33] : memref<6400000xi32, #tpu.memory_space<hbm>> -> memref<2000xi32, #tpu.memory_space<hbm>>
        %dma_wait3A_38 = tpu.memref_slice %arg3[%add3A_33] : memref<6400000xi32, #tpu.memory_space<hbm>> -> memref<2000xi32, #tpu.memory_space<hbm>>
        tpu.wait_dma2 semaphore(%run_scoped3A : memref<!tpu.dma_semaphore, #tpu.memory_space<semaphore_mem>>) src(%dma_wait3A_38 : memref<2000xi32, #tpu.memory_space<hbm>>) dst(%arg6 : memref<2000xi32, #tpu.memory_space<vmem>>)
        tpu.yield
      }) : () -> ()
      %mul3A_34 = arith.constant 2000 : i32
      %mul3A_35 = arith.muli %add3A_30, %mul3A_34 : i32
      %add3A_36 = arith.addi %mul3A_12, %mul3A_35 : i32
      "tpu.region"() ({
        %run_scoped3A = tpu.sem_alloc : memref<!tpu.dma_semaphore, #tpu.memory_space<semaphore_mem>>
        %dma_start3A = tpu.memref_slice %arg4[%add3A_36] : memref<6400000xi32, #tpu.memory_space<hbm>> -> memref<2000xi32, #tpu.memory_space<hbm>>
        %dma_start3A_37 = tpu.memref_slice %arg4[%add3A_36] : memref<6400000xi32, #tpu.memory_space<hbm>> -> memref<2000xi32, #tpu.memory_space<hbm>>
        tpu.enqueue_dma source(%dma_start3A_37 : memref<2000xi32, #tpu.memory_space<hbm>>) target(%arg7 : memref<2000xi32, #tpu.memory_space<vmem>>) target_semaphore(%run_scoped3A : memref<!tpu.dma_semaphore, #tpu.memory_space<semaphore_mem>>)
        %dma_wait3A = tpu.memref_slice %arg4[%add3A_36] : memref<6400000xi32, #tpu.memory_space<hbm>> -> memref<2000xi32, #tpu.memory_space<hbm>>
        %dma_wait3A_38 = tpu.memref_slice %arg4[%add3A_36] : memref<6400000xi32, #tpu.memory_space<hbm>> -> memref<2000xi32, #tpu.memory_space<hbm>>
        tpu.wait_dma2 semaphore(%run_scoped3A : memref<!tpu.dma_semaphore, #tpu.memory_space<semaphore_mem>>) src(%dma_wait3A_38 : memref<2000xi32, #tpu.memory_space<hbm>>) dst(%arg7 : memref<2000xi32, #tpu.memory_space<vmem>>)
        tpu.yield
      }) : () -> ()
      "tpu.region"() ({
        %run_scoped3A = tpu.sem_alloc : memref<!tpu.dma_semaphore, #tpu.memory_space<semaphore_mem>>
        %dma_start3A = arith.constant 0 : i32
        %dma_start3A_37 = tpu.memref_slice %arg10[%dma_start3A] : memref<100352xf32, #tpu.memory_space<vmem_shared>> -> memref<100352xf32, #tpu.memory_space<vmem_shared>>
        tpu.enqueue_indirect_dma source(%dma_start3A_37 : memref<100352xf32, #tpu.memory_space<vmem_shared>>) target(%arg8 : memref<2000xf32, #tpu.memory_space<vmem>>) offsets(%arg6 : memref<2000xi32, #tpu.memory_space<vmem>>) semaphore(%run_scoped3A : memref<!tpu.dma_semaphore, #tpu.memory_space<semaphore_mem>>)
        %dma_wait3A = arith.constant 0 : i32
        %dma_wait3A_38 = tpu.memref_slice %arg10[%dma_wait3A] : memref<100352xf32, #tpu.memory_space<vmem_shared>> -> memref<100352xf32, #tpu.memory_space<vmem_shared>>
        tpu.wait_indirect_dma semaphore(%run_scoped3A : memref<!tpu.dma_semaphore, #tpu.memory_space<semaphore_mem>>) src(%dma_wait3A_38 : memref<100352xf32, #tpu.memory_space<vmem_shared>>) dst(%arg8 : memref<2000xf32, #tpu.memory_space<vmem>>)
        tpu.yield
      }) : () -> ()
      "tpu.region"() ({
        %run_scoped3A = tpu.sem_alloc : memref<!tpu.dma_semaphore, #tpu.memory_space<semaphore_mem>>
        %dma_start3A = arith.constant 0 : i32
        %dma_start3A_37 = tpu.memref_slice %arg11[%dma_start3A] : memref<100352xf32, #tpu.memory_space<vmem_shared>> -> memref<100352xf32, #tpu.memory_space<vmem_shared>>
        tpu.enqueue_indirect_dma source(%arg8 : memref<2000xf32, #tpu.memory_space<vmem>>) target(%dma_start3A_37 : memref<100352xf32, #tpu.memory_space<vmem_shared>>) offsets(%arg7 : memref<2000xi32, #tpu.memory_space<vmem>>) semaphore(%run_scoped3A : memref<!tpu.dma_semaphore, #tpu.memory_space<semaphore_mem>>) {add = true}
        %dma_wait3A = arith.constant 0 : i32
        %dma_wait3A_38 = tpu.memref_slice %arg11[%dma_wait3A] : memref<100352xf32, #tpu.memory_space<vmem_shared>> -> memref<100352xf32, #tpu.memory_space<vmem_shared>>
        tpu.wait_indirect_dma semaphore(%run_scoped3A : memref<!tpu.dma_semaphore, #tpu.memory_space<semaphore_mem>>) src(%arg8 : memref<2000xf32, #tpu.memory_space<vmem>>) dst(%dma_wait3A_38 : memref<100352xf32, #tpu.memory_space<vmem_shared>>)
        tpu.yield
      }) : () -> ()
    }
    %scan3A_17 = arith.constant 100 : i32
    %barrier3A_18 = arith.constant 0 : index
    tpu.barrier barrier_id(%barrier3A_18)
    %mul3A_19 = arith.constant 6272 : i32
    %mul3A_20 = arith.muli %arg1, %mul3A_19 : i32
    %mul3A_21 = arith.constant 100352 : i32
    %mul3A_22 = arith.muli %arg0, %mul3A_21 : i32
    %mul3A_23 = arith.constant 6272 : i32
    %mul3A_24 = arith.muli %arg1, %mul3A_23 : i32
    %add3A_25 = arith.addi %mul3A_22, %mul3A_24 : i32
    "tpu.region"() ({
      %run_scoped3A = tpu.sem_alloc : memref<!tpu.dma_semaphore, #tpu.memory_space<semaphore_mem>>
      %dma_start3A = tpu.memref_slice %arg5[%add3A_25] : memref<200704xf32, #tpu.memory_space<hbm>> -> memref<6272xf32, #tpu.memory_space<hbm>>
      %dma_start3A_26 = tpu.memref_slice %arg11[%mul3A_20] : memref<100352xf32, #tpu.memory_space<vmem_shared>> -> memref<6272xf32, #tpu.memory_space<vmem_shared>>
      tpu.enqueue_dma source(%dma_start3A_26 : memref<6272xf32, #tpu.memory_space<vmem_shared>>) target(%dma_start3A : memref<6272xf32, #tpu.memory_space<hbm>>) target_semaphore(%run_scoped3A : memref<!tpu.dma_semaphore, #tpu.memory_space<semaphore_mem>>)
      %dma_wait3A = tpu.memref_slice %arg5[%add3A_25] : memref<200704xf32, #tpu.memory_space<hbm>> -> memref<6272xf32, #tpu.memory_space<hbm>>
      %dma_wait3A_27 = tpu.memref_slice %arg11[%mul3A_20] : memref<100352xf32, #tpu.memory_space<vmem_shared>> -> memref<6272xf32, #tpu.memory_space<vmem_shared>>
      tpu.wait_dma2 semaphore(%run_scoped3A : memref<!tpu.dma_semaphore, #tpu.memory_space<semaphore_mem>>) src(%dma_wait3A_27 : memref<6272xf32, #tpu.memory_space<vmem_shared>>) dst(%dma_wait3A : memref<6272xf32, #tpu.memory_space<hbm>>)
      tpu.yield
    }) : () -> ()
    return
  }
}

module attributes {stable_mosaic.version = 14 : i64} {
  func.func @_tc_prep_body(%arg0: i32, %arg1: memref<2000x1xf32, #tpu.memory_space<vmem>>, %arg2: memref<2000x1xf32, #tpu.memory_space<vmem>>, %arg3: memref<2000x5xf32, #tpu.memory_space<vmem>>, %arg4: memref<5x16xf32, #tpu.memory_space<vmem>>, %arg5: memref<2000x16xf32, #tpu.memory_space<vmem>>, %arg6: memref<2000x1xf32, #tpu.memory_space<vmem>>) attributes {dimension_semantics = [#tpu.dimension_semantics<arbitrary>], iteration_bounds = array<i64: 50>, scalar_prefetch = 0 : i64, scratch_operands = 0 : i64, tpu.core_type = #tpu.core_type<tc>, window_params = [{transform_indices = @transform_0, window_bounds = array<i64: 2000, 1>}, {transform_indices = @transform_1, window_bounds = array<i64: 2000, 1>}, {transform_indices = @transform_2, window_bounds = array<i64: 2000, 5>}, {pipeline_mode = #tpu.pipeline_mode<synchronous>, transform_indices = @transform_3, window_bounds = array<i64: 5, 16>}, {transform_indices = @transform_4, window_bounds = array<i64: 2000, 16>}, {transform_indices = @transform_5, window_bounds = array<i64: 2000, 1>}]} {
    %get3A = arith.constant 0 : index
    %get3A_0 = arith.constant 0 : index
    %get3A_1 = vector.load %arg1[%get3A, %get3A_0] : memref<2000x1xf32, #tpu.memory_space<vmem>>, vector<2000x1xf32>
    %get3A_2 = arith.constant 0 : index
    %get3A_3 = arith.constant 0 : index
    %get3A_4 = vector.load %arg2[%get3A_2, %get3A_3] : memref<2000x1xf32, #tpu.memory_space<vmem>>, vector<2000x1xf32>
    %add3A = arith.addf %get3A_1, %get3A_4 : vector<2000x1xf32>
    %add3A_5 = arith.constant 1.000000e+00 : f32
    %add3A_6 = vector.broadcast %add3A_5 : f32 to vector<2000x1xf32>
    %add3A_7 = arith.addf %add3A, %add3A_6 : vector<2000x1xf32>
    %rsqrt3A = math.rsqrt %add3A_7 : vector<2000x1xf32>
    %get3A_8 = arith.constant 0 : index
    %get3A_9 = arith.constant 0 : index
    %get3A_10 = vector.load %arg3[%get3A_8, %get3A_9] : memref<2000x5xf32, #tpu.memory_space<vmem>>, vector<2000x5xf32>
    %get3A_11 = arith.constant 0 : index
    %get3A_12 = arith.constant 0 : index
    %get3A_13 = vector.load %arg4[%get3A_11, %get3A_12] : memref<5x16xf32, #tpu.memory_space<vmem>>, vector<5x16xf32>
    %dot_general3A = arith.constant dense<0.000000e+00> : vector<2000x16xf32>
    %dot_general3A_14 = tpu.matmul %get3A_10, %get3A_13, %dot_general3A {dimension_numbers = #tpu.dot_dimension_numbers<[1], [0], [0], [1], [0, 0, 1, 1], [], []>, transpose_lhs_hint = false} : vector<2000x5xf32>, vector<5x16xf32>, vector<2000x16xf32> -> vector<2000x16xf32>
    %mul3A = vector.broadcast %rsqrt3A : vector<2000x1xf32> to vector<2000x16xf32>
    %mul3A_15 = arith.mulf %dot_general3A_14, %mul3A : vector<2000x16xf32>
    %swap3A = arith.constant 0 : index
    %swap3A_16 = arith.constant 0 : index
    %swap3A_17 = vector.load %arg5[%swap3A, %swap3A_16] : memref<2000x16xf32, #tpu.memory_space<vmem>>, vector<2000x16xf32>
    tpu.vector_store %arg5[%swap3A, %swap3A_16], %mul3A_15 {strides = array<i32>} : memref<2000x16xf32, #tpu.memory_space<vmem>>, vector<2000x16xf32>,
    %swap3A_18 = arith.constant 0 : index
    %swap3A_19 = arith.constant 0 : index
    %swap3A_20 = vector.load %arg6[%swap3A_18, %swap3A_19] : memref<2000x1xf32, #tpu.memory_space<vmem>>, vector<2000x1xf32>
    tpu.vector_store %arg6[%swap3A_18, %swap3A_19], %rsqrt3A {strides = array<i32>} : memref<2000x1xf32, #tpu.memory_space<vmem>>, vector<2000x1xf32>,
    return
  }
  func.func @transform_0(%arg0: i32) -> (i32, i32) {
    %c0_i32 = arith.constant 0 : i32
    %c0_i32_0 = arith.constant 0 : i32
    return %arg0, %c0_i32 : i32, i32
  }
  func.func @transform_1(%arg0: i32) -> (i32, i32) {
    %c0_i32 = arith.constant 0 : i32
    %c0_i32_0 = arith.constant 0 : i32
    return %arg0, %c0_i32 : i32, i32
  }
  func.func @transform_2(%arg0: i32) -> (i32, i32) {
    %c0_i32 = arith.constant 0 : i32
    %c0_i32_0 = arith.constant 0 : i32
    return %arg0, %c0_i32 : i32, i32
  }
  func.func @transform_3(%arg0: i32) -> (i32, i32) {
    %c0_i32 = arith.constant 0 : i32
    %c0_i32_0 = arith.constant 0 : i32
    %c0_i32_1 = arith.constant 0 : i32
    return %c0_i32, %c0_i32_0 : i32, i32
  }
  func.func @transform_4(%arg0: i32) -> (i32, i32) {
    %c0_i32 = arith.constant 0 : i32
    %c0_i32_0 = arith.constant 0 : i32
    return %arg0, %c0_i32 : i32, i32
  }
  func.func @transform_5(%arg0: i32) -> (i32, i32) {
    %c0_i32 = arith.constant 0 : i32
    %c0_i32_0 = arith.constant 0 : i32
    return %arg0, %c0_i32 : i32, i32
  }
}

module attributes {stable_mosaic.version = 14 : i64} {
  func.func @_tc_mid_body(%arg0: i32, %arg1: memref<2000x16xf32, #tpu.memory_space<vmem>>, %arg2: memref<2000x16xf32, #tpu.memory_space<vmem>>, %arg3: memref<2000x16xf32, #tpu.memory_space<vmem>>, %arg4: memref<2000x1xf32, #tpu.memory_space<vmem>>, %arg5: memref<1x16xf32, #tpu.memory_space<vmem>>, %arg6: memref<16x1xf32, #tpu.memory_space<vmem>>, %arg7: memref<2000x1xf32, #tpu.memory_space<vmem>>) attributes {dimension_semantics = [#tpu.dimension_semantics<arbitrary>], iteration_bounds = array<i64: 50>, scalar_prefetch = 0 : i64, scratch_operands = 0 : i64, tpu.core_type = #tpu.core_type<tc>, window_params = [{transform_indices = @transform_0, window_bounds = array<i64: 2000, 16>}, {transform_indices = @transform_1, window_bounds = array<i64: 2000, 16>}, {transform_indices = @transform_2, window_bounds = array<i64: 2000, 16>}, {transform_indices = @transform_3, window_bounds = array<i64: 2000, 1>}, {pipeline_mode = #tpu.pipeline_mode<synchronous>, transform_indices = @transform_4, window_bounds = array<i64: 1, 16>}, {pipeline_mode = #tpu.pipeline_mode<synchronous>, transform_indices = @transform_5, window_bounds = array<i64: 16, 1>}, {transform_indices = @transform_6, window_bounds = array<i64: 2000, 1>}]} {
    %get3A = arith.constant 0 : index
    %get3A_0 = arith.constant 0 : index
    %get3A_1 = vector.load %arg4[%get3A, %get3A_0] : memref<2000x1xf32, #tpu.memory_space<vmem>>, vector<2000x1xf32>
    %get3A_2 = arith.constant 0 : index
    %get3A_3 = arith.constant 0 : index
    %get3A_4 = vector.load %arg1[%get3A_2, %get3A_3] : memref<2000x16xf32, #tpu.memory_space<vmem>>, vector<2000x16xf32>
    %get3A_5 = arith.constant 0 : index
    %get3A_6 = arith.constant 0 : index
    %get3A_7 = vector.load %arg2[%get3A_5, %get3A_6] : memref<2000x16xf32, #tpu.memory_space<vmem>>, vector<2000x16xf32>
    %add3A = arith.addf %get3A_4, %get3A_7 : vector<2000x16xf32>
    %get3A_8 = arith.constant 0 : index
    %get3A_9 = arith.constant 0 : index
    %get3A_10 = vector.load %arg3[%get3A_8, %get3A_9] : memref<2000x16xf32, #tpu.memory_space<vmem>>, vector<2000x16xf32>
    %add3A_11 = arith.addf %add3A, %get3A_10 : vector<2000x16xf32>
    %mul3A = vector.broadcast %get3A_1 : vector<2000x1xf32> to vector<2000x16xf32>
    %mul3A_12 = arith.mulf %add3A_11, %mul3A : vector<2000x16xf32>
    %get3A_13 = arith.constant 0 : index
    %get3A_14 = arith.constant 0 : index
    %get3A_15 = vector.load %arg5[%get3A_13, %get3A_14] : memref<1x16xf32, #tpu.memory_space<vmem>>, vector<1x16xf32>
    %add3A_16 = vector.broadcast %get3A_15 : vector<1x16xf32> to vector<2000x16xf32>
    %add3A_17 = arith.addf %mul3A_12, %add3A_16 : vector<2000x16xf32>
    %max3A = arith.constant 0.000000e+00 : f32
    %max3A_18 = vector.broadcast %max3A : f32 to vector<2000x16xf32>
    %max3A_19 = arith.maximumf %add3A_17, %max3A_18 : vector<2000x16xf32>
    %get3A_20 = arith.constant 0 : index
    %get3A_21 = arith.constant 0 : index
    %get3A_22 = vector.load %arg6[%get3A_20, %get3A_21] : memref<16x1xf32, #tpu.memory_space<vmem>>, vector<16x1xf32>
    %dot_general3A = arith.constant dense<0.000000e+00> : vector<2000x1xf32>
    %dot_general3A_23 = tpu.matmul %max3A_19, %get3A_22, %dot_general3A {dimension_numbers = #tpu.dot_dimension_numbers<[1], [0], [0], [1], [0, 0, 1, 1], [], []>, transpose_lhs_hint = false} : vector<2000x16xf32>, vector<16x1xf32>, vector<2000x1xf32> -> vector<2000x1xf32>
    %mul3A_24 = arith.mulf %dot_general3A_23, %get3A_1 : vector<2000x1xf32>
    %swap3A = arith.constant 0 : index
    %swap3A_25 = arith.constant 0 : index
    %swap3A_26 = vector.load %arg7[%swap3A, %swap3A_25] : memref<2000x1xf32, #tpu.memory_space<vmem>>, vector<2000x1xf32>
    tpu.vector_store %arg7[%swap3A, %swap3A_25], %mul3A_24 {strides = array<i32>} : memref<2000x1xf32, #tpu.memory_space<vmem>>, vector<2000x1xf32>,
    return
  }
  func.func @transform_0(%arg0: i32) -> (i32, i32) {
    %c0_i32 = arith.constant 0 : i32
    %c0_i32_0 = arith.constant 0 : i32
    return %arg0, %c0_i32 : i32, i32
  }
  func.func @transform_1(%arg0: i32) -> (i32, i32) {
    %c0_i32 = arith.constant 0 : i32
    %c0_i32_0 = arith.constant 0 : i32
    return %arg0, %c0_i32 : i32, i32
  }
  func.func @transform_2(%arg0: i32) -> (i32, i32) {
    %c0_i32 = arith.constant 0 : i32
    %c0_i32_0 = arith.constant 0 : i32
    return %arg0, %c0_i32 : i32, i32
  }
  func.func @transform_3(%arg0: i32) -> (i32, i32) {
    %c0_i32 = arith.constant 0 : i32
    %c0_i32_0 = arith.constant 0 : i32
    return %arg0, %c0_i32 : i32, i32
  }
  func.func @transform_4(%arg0: i32) -> (i32, i32) {
    %c0_i32 = arith.constant 0 : i32
    %c0_i32_0 = arith.constant 0 : i32
    %c0_i32_1 = arith.constant 0 : i32
    return %c0_i32, %c0_i32_0 : i32, i32
  }
  func.func @transform_5(%arg0: i32) -> (i32, i32) {
    %c0_i32 = arith.constant 0 : i32
    %c0_i32_0 = arith.constant 0 : i32
    %c0_i32_1 = arith.constant 0 : i32
    return %c0_i32, %c0_i32_0 : i32, i32
  }
  func.func @transform_6(%arg0: i32) -> (i32, i32) {
    %c0_i32 = arith.constant 0 : i32
    %c0_i32_0 = arith.constant 0 : i32
    return %arg0, %c0_i32 : i32, i32
  }
}

module attributes {stable_mosaic.version = 14 : i64} {
  func.func @_tc_final_body(%arg0: i32, %arg1: memref<2000x1xf32, #tpu.memory_space<vmem>>, %arg2: memref<2000x1xf32, #tpu.memory_space<vmem>>, %arg3: memref<2000x1xf32, #tpu.memory_space<vmem>>, %arg4: memref<2000x1xf32, #tpu.memory_space<vmem>>, %arg5: memref<1x1xf32, #tpu.memory_space<vmem>>, %arg6: memref<2000x1xf32, #tpu.memory_space<vmem>>) attributes {dimension_semantics = [#tpu.dimension_semantics<arbitrary>], iteration_bounds = array<i64: 50>, scalar_prefetch = 0 : i64, scratch_operands = 0 : i64, tpu.core_type = #tpu.core_type<tc>, window_params = [{transform_indices = @transform_0, window_bounds = array<i64: 2000, 1>}, {transform_indices = @transform_1, window_bounds = array<i64: 2000, 1>}, {transform_indices = @transform_2, window_bounds = array<i64: 2000, 1>}, {transform_indices = @transform_3, window_bounds = array<i64: 2000, 1>}, {pipeline_mode = #tpu.pipeline_mode<synchronous>, transform_indices = @transform_4, window_bounds = array<i64: 1, 1>}, {transform_indices = @transform_5, window_bounds = array<i64: 2000, 1>}]} {
    %get3A = arith.constant 0 : index
    %get3A_0 = arith.constant 0 : index
    %get3A_1 = vector.load %arg1[%get3A, %get3A_0] : memref<2000x1xf32, #tpu.memory_space<vmem>>, vector<2000x1xf32>
    %get3A_2 = arith.constant 0 : index
    %get3A_3 = arith.constant 0 : index
    %get3A_4 = vector.load %arg2[%get3A_2, %get3A_3] : memref<2000x1xf32, #tpu.memory_space<vmem>>, vector<2000x1xf32>
    %add3A = arith.addf %get3A_1, %get3A_4 : vector<2000x1xf32>
    %get3A_5 = arith.constant 0 : index
    %get3A_6 = arith.constant 0 : index
    %get3A_7 = vector.load %arg3[%get3A_5, %get3A_6] : memref<2000x1xf32, #tpu.memory_space<vmem>>, vector<2000x1xf32>
    %add3A_8 = arith.addf %add3A, %get3A_7 : vector<2000x1xf32>
    %get3A_9 = arith.constant 0 : index
    %get3A_10 = arith.constant 0 : index
    %get3A_11 = vector.load %arg4[%get3A_9, %get3A_10] : memref<2000x1xf32, #tpu.memory_space<vmem>>, vector<2000x1xf32>
    %mul3A = arith.mulf %add3A_8, %get3A_11 : vector<2000x1xf32>
    %get3A_12 = arith.constant 0 : index
    %get3A_13 = arith.constant 0 : index
    %get3A_14 = vector.load %arg5[%get3A_12, %get3A_13] : memref<1x1xf32, #tpu.memory_space<vmem>>, vector<1x1xf32>
    %add3A_15 = vector.broadcast %get3A_14 : vector<1x1xf32> to vector<2000x1xf32>
    %add3A_16 = arith.addf %mul3A, %add3A_15 : vector<2000x1xf32>
    %swap3A = arith.constant 0 : index
    %swap3A_17 = arith.constant 0 : index
    %swap3A_18 = vector.load %arg6[%swap3A, %swap3A_17] : memref<2000x1xf32, #tpu.memory_space<vmem>>, vector<2000x1xf32>
    tpu.vector_store %arg6[%swap3A, %swap3A_17], %add3A_16 {strides = array<i32>} : memref<2000x1xf32, #tpu.memory_space<vmem>>, vector<2000x1xf32>,
    return
  }
  func.func @transform_0(%arg0: i32) -> (i32, i32) {
    %c0_i32 = arith.constant 0 : i32
    %c0_i32_0 = arith.constant 0 : i32
    return %arg0, %c0_i32 : i32, i32
  }
  func.func @transform_1(%arg0: i32) -> (i32, i32) {
    %c0_i32 = arith.constant 0 : i32
    %c0_i32_0 = arith.constant 0 : i32
    return %arg0, %c0_i32 : i32, i32
  }
  func.func @transform_2(%arg0: i32) -> (i32, i32) {
    %c0_i32 = arith.constant 0 : i32
    %c0_i32_0 = arith.constant 0 : i32
    return %arg0, %c0_i32 : i32, i32
  }
  func.func @transform_3(%arg0: i32) -> (i32, i32) {
    %c0_i32 = arith.constant 0 : i32
    %c0_i32_0 = arith.constant 0 : i32
    return %arg0, %c0_i32 : i32, i32
  }
  func.func @transform_4(%arg0: i32) -> (i32, i32) {
    %c0_i32 = arith.constant 0 : i32
    %c0_i32_0 = arith.constant 0 : i32
    %c0_i32_1 = arith.constant 0 : i32
    return %c0_i32, %c0_i32_0 : i32, i32
  }
  func.func @transform_5(%arg0: i32) -> (i32, i32) {
    %c0_i32 = arith.constant 0 : i32
    %c0_i32_0 = arith.constant 0 : i32
    return %arg0, %c0_i32 : i32, i32
  }
}

</mosaic_0001>

<sc_bundles>
// kernel: kernel.11.cloned.1.call-start
scs
__scs_entry_jumppad:
0x0: {  	(pc) =	sbr.rel $0x88, $3  }
0x1: {  	(tag) =	ssettag $0x0;
	lr =	simm.s32 $0x1  }
0x2: {  	[smem:$0x3F9B] =	sst lr;
	_ =	strace $0xD0000000  }
0x3: {  	_ = 	snop  }
0x4: {  	_ = 	snop  }
0x5: {  	_ = 	snop  }
0x6: {  	_ = 	snop  }
0x7: {  	_ = 	snop  }
__scs_overlays_trampoline_lowered:
0x8: {  	[smem:$0x3FAA] =	sst s0  }
0x9: {  	[smem:$0x3FAB] =	sst s1  }
0xa: {  	[smem:$0x3FAC] =	sst s2  }
0xb: {  	[smem:$0x3FAD] =	sst s3  }
0xc: {  	[smem:$0x3FAE] =	sst s4  }
0xd: {  	[smem:$0x3FAF] =	sst s5  }
0xe: {  	[smem:$0x3FB0] =	sst s6  }
0xf: {  	[smem:$0x3FB1] =	sst s7  }
0x10: {  	[smem:$0x3FB2] =	sst s8  }
0x11: {  	[smem:$0x3FB3] =	sst s9;
	s0 =	simm.s32 @!p0 $0x0  }
0x12: {  	s1 =	sld [smem:$0x3F99];
	s0 =	simm.s32 @p0 $0x1  }
0x13: {  	[smem:$0x3FB4] =	sst s0;
	s0 =	simm.s32 @!p1 $0x0  }
0x14: {  	s2 =	sld [smem:$0x3F98];
	s0 =	simm.s32 @p1 $0x1  }
0x15: {  	[smem:$0x3FB5] =	sst s0;
	s0 =	simm.s32 @!p2 $0x0  }
0x16: {  	s3 =	sld [smem:$0x3FDB];
	s0 =	simm.s32 @p2 $0x1  }
0x17: {  	s4 =	simm.s32 $0x1BF5;
	[smem:$0x3FB7] =	sst s0  }
0x18: {  	s0 =	sld [smem:$0x3F9A];
	_ =	swait.ge [sflag:s4], $0x0  }
0x19: {  	s7 =	sld [smem:$0x3F9B]  }
0x1a: {  	s8 =	sadd.s32 $0xFFFFE003, lr  }
0x1b: {  	s9 =	sadd.s32 $0xFFFFFEF7, lr;
	s5 =	simm.s32 $0xFFFFFFFF;
	p2 =	slt.u32 s8, $0xFFFFF086  }
0x1c: {  	p1 =	slt.u32 s9, $0xF7A;
	s5 =	simm.s32 @!p2 $0x0  }
0x1d: {  	s5 =	simm.s32 @p1 $0x1;
	p0 =	seq.s32 s7, s2  }
0x1e: {  	s7 =	smul.u32 @!p0 $0xF7A, s2;
	p2 =	seq.s32 @!p0 s5, $0x0  }
0x1f: {  	s9 =	smul.u32 $0xF7A, s1;
	s8 =	simm.s32 @!p0 $0x1BF5;
	p2 =	por !p2, p0  }
0x20: {  	[sflag:s8] =	ssyncset.s32 @!p0 $0xFFFFF086;
	s6 =	sadd.s32 @!p0 s3, s7;
	s7 =	simm.s32 @!p0 $0x108  }
0x21: {  	s3 =	sadd.s32 s3, s9;
	s6 =	sadd.s32 @!p0 $0x88, s6;
	s7 =	simm.s32 @p2 $0x1082  }
0x22: {  	[simem:s7], [sflag:s8] =	dma.local @!p0 [hbm:s6], $0xF7A  }
0x23: {  	s9 =	sor.u32 $0xD0000000, s2;
	s6 =	simm.s32 $0x108;
	_ =	swait.ge @!p0 [sflag:s8], $0x0  }
0x24: {  	s3 =	sadd.s32 $0x88, s3;
	s6 =	simm.s32 @!p1 $0x1082;
	[sflag:s4] =	ssyncset.s32 $0xFFFFF086  }
0x25: {  	[simem:s6], [sflag:s4] =	dma.local [hbm:s3], $0xF7A  }
0x26: {  	[smem:$0x3F9B] =	sst s1;
	(tag) =	ssettag s2;
	_ =	strace s9  }
0x27: {  	s1 =	sld [smem:$0x3FAB]  }
0x28: {  	s2 =	sld [smem:$0x3FAC]  }
0x29: {  	s4 =	sld [smem:$0x3FAE]  }
0x2a: {  	p0 =	seq.s32 s5, $0x0;
	s5 =	sld [smem:$0x3FAF]  }
0x2b: {  	s6 =	sld [smem:$0x3FB0]  }
0x2c: {  	s7 =	sld [smem:$0x3FB1]  }
0x2d: {  	s3 =	simm.s32 $0x108;
	s8 =	sld [smem:$0x3FB2]  }
0x2e: {  	s3 =	simm.s32 @!p0 $0x1082;
	s9 =	sld [smem:$0x3FB3]  }
0x2f: {  	lr =	sadd.s32 s0, s3;
	s0 =	sld [smem:$0x3FAA]  }
0x30: {  	s3 =	sld [smem:$0x3FAD]  }
0x31: {  	[smem:$0x3FB6] =	sst s10  }
0x32: {  	s10 =	sld [smem:$0x3FB4];
	_ =	sdelay $0x3  }
0x33: {  	p0 =	seq.s32 s10, $0x1;
	s10 =	sld [smem:$0x3FB6];
	_ =	sdelay $0x3  }
0x34: {  	[smem:$0x3FB6] =	sst s10  }
0x35: {  	s10 =	sld [smem:$0x3FB5];
	_ =	sdelay $0x3  }
0x36: {  	p1 =	seq.s32 s10, $0x1;
	s10 =	sld [smem:$0x3FB6];
	_ =	sdelay $0x3  }
0x37: {  	[smem:$0x3FB6] =	sst s10  }
0x38: {  	s10 =	sld [smem:$0x3FB7]  }
0x39: {  	_ = 	snop;
	(pc) =	sbr.ind lr, $3  }
0x3a: {  	_ = 	snop  }
0x3b: {  	_ = 	snop  }
0x3c: {  	p2 =	seq.s32 s10, $0x1;
	s10 =	sld [smem:$0x3FB6]  }
0x3d: {  	_ =	shalt  }
0x3e: {  	_ =	shalt  }
0x3f: {  	_ =	shalt  }
0x40: {  	_ =	shalt  }
0x41: {  	_ =	shalt  }
0x42: {  	_ =	shalt  }
0x43: {  	_ =	shalt  }
0x44: {  	_ =	shalt  }
0x45: {  	_ =	shalt  }
0x46: {  	_ =	shalt  }
0x47: {  	_ =	shalt  }
0x48: {  	_ =	shalt  }
0x49: {  	_ =	shalt  }
0x4a: {  	_ =	shalt  }
0x4b: {  	_ =	shalt  }
0x4c: {  	_ =	shalt  }
0x4d: {  	_ =	shalt  }
0x4e: {  	_ =	shalt  }
0x4f: {  	_ =	shalt  }
0x50: {  	_ =	shalt  }
0x51: {  	_ =	shalt  }
0x52: {  	_ =	shalt  }
0x53: {  	_ =	shalt  }
0x54: {  	_ =	shalt  }
0x55: {  	_ =	shalt  }
0x56: {  	_ =	shalt  }
0x57: {  	_ =	shalt  }
0x58: {  	_ =	shalt  }
0x59: {  	_ =	shalt  }
0x5a: {  	_ =	shalt  }
0x5b: {  	_ =	shalt  }
0x5c: {  	_ =	shalt  }
0x5d: {  	_ =	shalt  }
0x5e: {  	_ =	shalt  }
0x5f: {  	_ =	shalt  }
0x60: {  	_ =	shalt  }
0x61: {  	_ =	shalt  }
0x62: {  	_ =	shalt  }
0x63: {  	_ =	shalt  }
0x64: {  	_ =	shalt  }
0x65: {  	_ =	shalt  }
0x66: {  	_ =	shalt  }
0x67: {  	_ =	shalt  }
0x68: {  	_ =	shalt  }
0x69: {  	_ =	shalt  }
0x6a: {  	_ =	shalt  }
0x6b: {  	_ =	shalt  }
0x6c: {  	_ =	shalt  }
0x6d: {  	_ =	shalt  }
0x6e: {  	_ =	shalt  }
0x6f: {  	_ =	shalt  }
0x70: {  	_ =	shalt  }
0x71: {  	_ =	shalt  }
0x72: {  	_ =	shalt  }
0x73: {  	_ =	shalt  }
0x74: {  	_ =	shalt  }
0x75: {  	_ =	shalt  }
0x76: {  	_ =	shalt  }
0x77: {  	_ =	shalt  }
0x78: {  	_ =	shalt  }
0x79: {  	_ =	shalt  }
0x7a: {  	_ =	shalt  }
0x7b: {  	_ =	shalt  }
0x7c: {  	_ =	shalt  }
0x7d: {  	_ =	shalt  }
0x7e: {  	_ =	shalt  }
0x7f: {  	_ =	shalt  }
0x80: {  	_ =	shalt  }
0x81: {  	_ =	shalt  }
0x82: {  	_ =	shalt  }
0x83: {  	_ =	shalt  }
0x84: {  	_ =	shalt  }
0x85: {  	_ =	shalt  }
0x86: {  	_ =	shalt  }
0x87: {  	_ =	shalt  }
.Lfunc_end0:
.L_simem_size_0:
called_computation.1_lowered:
.L_overlay_start_0:
0x88: {  	s2 =	sld [smem:$0x3FD9]  }
0x89: {  	s3 =	sld [smem:$0x3FFE];
	_ =	sdelay $0x1  }
0x8a: {  	s1 =	srdreg.scid  }
0x8b: {  	s0 =	sand.u32 $0x1, s1  }
0x8c: {  	s16 =	sshll.u32 s0, $0xA;
	s2 =	sadd.s32 s3, s2  }
0x8d: {  	s2 =	sadd.s32 s2, s16  }
0x8e: {  	[smem:$0x3FC2] =	sst s2  }
0x8f: {  	_ = 	snop  }
0x90: {  	(tm) =	ssettm $0x1  }
0x91: {  	s17 =	sld [smem:$0x3FFB];
	_ =	sdelay $0x3  }
0x92: {  	_ =	strace s17  }
0x93: {  	s2 =	sld [smem:$0x3FFC];
	_ =	sdelay $0x3  }
0x94: {  	_ =	strace s2  }
0x95: {  	s2 =	sld [smem:$0x3FFD];
	_ =	sdelay $0x3  }
0x96: {  	_ =	strace s2  }
0x97: {  	_ =	strace $0x8FFFFFFF  }
0x98: {  	s18 =	sld [smem:$0x3FDB];
	_ =	sdelay $0x1  }
0x99: {  	s19 =	simm.s32 $_scs_section_size  }
0x9a: {  	s4 =	simm.s32 $_size__tile_overlayer_lowered;
	s5 =	simm.s32 $_tile_overlayer_lowered  }
0x9b: {  	s22 =	simm.s32 $0x1BFF;
	s21 =	sshll.u32 s5, $0x1;
	s2 =	sadd.s32 s19, s18  }
0x9c: {  	s6 =	simm.s32 $0x0;
	s20 =	sshll.u32 s4, $0x1;
	s4 =	sadd.s32 s21, s2  }
0x9d: {  	[timem:s6], [sflag:s22] =	dma.local [hbm:s4], s20  }
0x9e: {  	_ =	swait.ge [sflag:s22], s20  }
0x9f: {  	s3 =	ssub.s32 $0x0, s20;
	[sflag:s22] =	ssyncset.done $0x0  }
0xa0: {  	[sflag:s22] =	ssyncadd.s32 s3;
	_ =	sdelay $0x1  }
0xa1: {  	s23 =	simm.s32 $0x1B8B  }
0xa2: {  	_ =	swait.ge [sflag:s23], $0x1  }
0xa3: {  	[sflag:s23] =	ssyncset.done $0x0  }
0xa4: {  	s25 =	simm.s32 $0x1B8E;
	s24 =	sld [smem:$0x3FFE];
	[sflag:s23] =	ssyncadd.s32 $0xFFFFFFFF  }
0xa5: {  	s26 =	simm.s32 $execute0_lowered;
	[smem:$0x3FD2] =	sst s25  }
0xa6: {  	s4 =	sshll.u32 s26, $0x1;
	_ =	strace $0x80000049;
	[dreg:$0x1] =	wrdreg $0xFFFFFFFF  }
0xa7: {  	s28 =	simm.s32 $_size_execute0_lowered;
	s2 =	sadd.s32 s2, s4;
	[dreg:$0x0] =	wrdreg $0x0  }
0xa8: {  	s4 =	sshll.u32 s28, $0x1;
	[dreg:$0x2] =	wrdreg s2  }
0xa9: {  	[dreg:$0x3] =	wrdreg s4  }
0xaa: {  	[dreg:$0x4] =	wrdreg $0xC0  }
0xab: {  	_ =	task [dreg:s6], $0x5FFFF  }
0xac: {  	[dreg:$0x1] =	wrdreg $0xFFFFFFFF  }
0xad: {  	[dreg:$0x0] =	wrdreg $0x60  }
0xae: {  	[dreg:$0x2] =	wrdreg s24  }
0xaf: {  	[dreg:$0x3] =	wrdreg $0x46500  }
0xb0: {  	[dreg:$0x4] =	wrdreg $0x9  }
0xb1: {  	_ =	task.clear_ibuf [dreg:s6], $0x5FFFF;
	_ =	strace $0x90000049  }
0xb2: {  	s29 =	simm.s32 $0x9;
	_ =	strace $0x8000004B  }
0xb3: {  	_ =	swait.ge [sflag:s29], $0x1  }
0xb4: {  	[sflag:s29] =	ssyncadd.s32 $0xFFFFFFFF  }
0xb5: {  	_ =	strace $0x9000004B  }
0xb6: {  	_ =	sfence  }
0xb7: {  	s30 =	sld [smem:$0x0];
	_ =	sdelay $0x2  }
0xb8: {  	s31 =	sshll.u32 s1, $0xD;
	s1 =	sshrl.u32 s1, $0x2  }
0xb9: {  	s3 =	sand.u32 $0x4000, s31;
	s1 =	sadd.s32 s1, s30  }
0xba: {  	s0 =	sor.u32 s3, s0;
	s1 =	sshll.u32 s1, $0x11  }
0xbb: {  	s0 =	sor.u32 s1, s0  }
0xbc: {  	s0 =	sadd.s32 $0x8F2B, s0  }
0xbd: {  	[sflag:s0] =	ssyncadd.remote.s32 $0x1  }
0xbe: {  	_ =	sfence.sel $0xFFFF  }
0xbf: {  	[dreg:$0x0] =	wrdreg $0xFFFFFFFF;
	(pc) =	sbr.abs _section_cstart, $3  }
0xc0: {  	[dreg:$0x1] =	wrdreg $0xFFFFFFFF  }
0xc1: {  	_ =	task.clear_ibuf [dreg:s6], $0x2FFFF;
	_ =	strace $0x9FFFFFFF  }
0xc2: {  	(tm) =	ssettm $0x7FFFFFFF  }
0xc3: {  	_ =	shalt  }
tec
execute0_lowered:
.L_overlay_start_1:
0x0: {  	(tag) =	ssettag $0x1  }
0x1: {  	s1 =	srdreg.scid  }
0x2: {  	s0 =	stileid.u32;
	s5 =	rddreg [dreg:$0x0]  }
0x3: {  	s2 =	rddreg [dreg:$0x1];
	s3 =	simm.s32 $0x0;
	s4 =	smul.u32 $0x61A80, s0  }
0x4: {  	s16 =	simm.s32 $0x7D0;
	s17 =	simm.s32 $0x1;
	s8 =	smul.u32 $0x3100, s0  }
0x5: {  	s18 =	simm.s32 $0x3E8;
	s6 =	sand.u32 $0x1, s1;
	s10 =	smul.u32 $0x62000, s0  }
0x6: {  	s21 =	simm.s32 $0x0;
	s1 =	rddreg [dreg:$0x2];
	s7 =	smul.u32 $0x30D40, s6  }
0x7: {  	[smem:$0x7FF] =	sst s3;
	s19 =	sshll.u32 s0, $0x6;
	s28 =	smul.u32 $0x31000, s6  }
0x8: {  	_ =	strace $0x8000004A;
	s6 =	ssub.s32 $0x2, s6;
	s19 =	sor.u32 $0x1C01, s19  }
0x9: {  	s29 =	sshrl.u32 s10, $0x2;
	s30 =	sshrl.u32 s6, $0x1;
	s4 =	sadd.s32 s7, s4  }
0xa: {  	s7 =	sadd.s32 s8, s28;
	s31 =	ssub.s32 s6, s30;
	s9 =	sshrl.u32 s4, $0x3  }
0xb: {  	s4 =	sadd.s32 $0x188600, s5;
	s7 =	sadd.s32 s7, s5;
	s8 =	smax.u32 s31, $0x1  }
0xc: {  	s15 =	sadd.s32 s9, s5;
	s5 =	sadd.s32 s29, s2;
	s7 =	sadd.s32 $0x1B9400, s7  }
0xd: {  	s6 =	sadd.s32 $0x17700, s5;
	s9 =	sadd.s32 $0x3E80, s5;
	s10 =	sadd.s32 $0x7D00, s5  }
0xe: {  	s11 =	sadd.s32 $0xBB80, s5;
	s12 =	sadd.s32 $0xFA00, s5;
	s13 =	sadd.s32 $0x13880, s5  }
0xf: {  	v0 =	vimm.f32 $0.0e+00;
	s14 =	sadd.s32 $0xC5000, s15;
	s15 =	sadd.s32 $0x1A00, s15;
	s20 =	sshrl.u32 s5, $0x3  }
.LBB2_1:
0x10: {  	s22 =	simm.s32 $0x40;
	s23 =	simm.s32 $0x0  }
.LBB2_2:
0x11: {  	p0 =	sne.s32 s22, $0xF9C0;
	[tilespmem:s23+$0x7D0] =	vst v0;
	s23 =	smov.u32 s22;
	s22 =	sadd.s32 $0x40, s22  }
.Ltmp0:
0x12: {  	(pc) =	sbr.rel @p0 .LBB2_2-.Ltmp0, $2  }
0x13: {  	_ =	sdelay $0x2  }
0x14: {  	s23 =	sshra.s32 s23, $0x2  }
0x15: {  	[tilespmem:s23+$0x7D0] =	vst v0  }
0x16: {  	[spmem:s5] =	stream.linear.scatter [tilespmem:s16], [sflag:$0x1], $0x3E80, $0x38;
	[tilespmem:$0x1CE50] =	vst v63  }
0x17: {  	_ =	swait.ge [sflag:s17], $0x3E80  }
0x18: {  	[sflag:s17] =	ssyncset.done $0x0  }
0x19: {  	[sflag:s17] =	ssyncadd.s32 $0xFFFFC180  }
0x1a: {  	[spmem:s9] =	stream.linear.scatter [tilespmem:s16], [sflag:$0x1], $0x3E80, $0x38;
	[tilespmem:$0x1CE50] =	vst v63  }
0x1b: {  	_ =	swait.ge [sflag:s17], $0x3E80  }
0x1c: {  	[sflag:s17] =	ssyncset.done $0x0  }
0x1d: {  	[sflag:s17] =	ssyncadd.s32 $0xFFFFC180  }
0x1e: {  	[spmem:s10] =	stream.linear.scatter [tilespmem:s16], [sflag:$0x1], $0x3E80, $0x38;
	[tilespmem:$0x1CE50] =	vst v63  }
0x1f: {  	_ =	swait.ge [sflag:s17], $0x3E80  }
0x20: {  	[sflag:s17] =	ssyncset.done $0x0  }
0x21: {  	[sflag:s17] =	ssyncadd.s32 $0xFFFFC180  }
0x22: {  	[spmem:s11] =	stream.linear.scatter [tilespmem:s16], [sflag:$0x1], $0x3E80, $0x38;
	[tilespmem:$0x1CE50] =	vst v63  }
0x23: {  	_ =	swait.ge [sflag:s17], $0x3E80  }
0x24: {  	[sflag:s17] =	ssyncset.done $0x0  }
0x25: {  	[sflag:s17] =	ssyncadd.s32 $0xFFFFC180  }
0x26: {  	[spmem:s12] =	stream.linear.scatter [tilespmem:s16], [sflag:$0x1], $0x3E80, $0x38;
	[tilespmem:$0x1CE50] =	vst v63  }
0x27: {  	_ =	swait.ge [sflag:s17], $0x3E80  }
0x28: {  	[sflag:s17] =	ssyncset.done $0x0  }
0x29: {  	[sflag:s17] =	ssyncadd.s32 $0xFFFFC180  }
0x2a: {  	[spmem:s13] =	stream.linear.scatter [tilespmem:s16], [sflag:$0x1], $0x3E80, $0x38;
	[tilespmem:$0x1CE50] =	vst v63  }
0x2b: {  	_ =	swait.ge [sflag:s17], $0x3E80  }
0x2c: {  	[sflag:s17] =	ssyncset.done $0x0  }
0x2d: {  	[sflag:s17] =	ssyncadd.s32 $0xFFFFC180  }
0x2e: {  	[spmem:s6] =	stream.linear.scatter [tilespmem:s16], [sflag:$0x1], $0x1100, $0x38;
	[tilespmem:$0x1CE50] =	vst v63  }
0x2f: {  	_ =	swait.ge [sflag:s17], $0x1100  }
0x30: {  	[sflag:s17] =	ssyncset.done $0x0  }
0x31: {  	[sflag:s17] =	ssyncadd.s32 $0xFFFFEF00  }
0x32: {  	s22 =	sadd.s32 $0x0, s15;
	[bflag:$0x0] =	sbarrier.arrive $0xFFFF  }
0x33: {  	[tilespmem:s3], [sflag:$0x1] =	stream.linear.gather [hbm4b:s22+s3], $0x3E8, $0x38;
	[tilespmem:$0x1CE50] =	vst v63  }
0x34: {  	_ =	swait.ge [sflag:s17], $0x3E8  }
0x35: {  	[sflag:s17] =	ssyncset.done $0x0  }
0x36: {  	s31 =	sadd.s32 $0x0, s14;
	[sflag:s17] =	ssyncadd.s32 $0xFFFFFC18  }
0x37: {  	[tilespmem:s18], [sflag:$0x1] =	stream.linear.gather [hbm4b:s31+s3], $0x3E8, $0x38;
	[tilespmem:$0x1CE50] =	vst v63  }
0x38: {  	_ =	swait.ge [sflag:s17], $0x3E8  }
0x39: {  	[sflag:s17] =	ssyncset.done $0x0  }
0x3a: {  	[sflag:s17] =	ssyncadd.s32 $0xFFFFFC18  }
0x3b: {  	[tilespmem:s16], [sflag:$0x1] =	stream.indirect.gather [hbm4b:s4+s18], $0x10, s3, s18, $0xb8;
	[tilespmem:$0x1CE50] =	vst v63  }
0x3c: {  	_ =	swait.ge [sflag:s17], $0x3E80  }
0x3d: {  	[sflag:s17] =	ssyncset.done $0x0  }
0x3e: {  	[sflag:s17] =	ssyncadd.s32 $0xFFFFC180  }
0x3f: {  	[spmem:s2] =	stream.indirect.scatter.add.f32 [tilespmem:s16], [sflag:$0x1], $0x10, s18, s18, $0xb8;
	[tilespmem:$0x1CE50] =	vst v63  }
0x40: {  	_ =	swait.ge [sflag:s17], $0x3E80  }
0x41: {  	s23 =	simm.s32 $0xFA;
	s22 =	simm.s32 $0x7D;
	[sflag:s17] =	ssyncset.done $0x0  }
.LBB2_4:
0x42: {  	s24 =	sadd.s32 s22, s15  }
0x43: {  	[sflag:s17] =	ssyncadd.s32 $0xFFFFC180;
	s25 =	smov.u32 s23;
	s26 =	sadd.s32 $0x7D, s23  }
0x44: {  	[tilespmem:s3], [sflag:$0x1] =	stream.linear.gather [hbm4b:s24+s3], $0x3E8, $0x38;
	[tilespmem:$0x1CE50] =	vst v63  }
0x45: {  	p0 =	sne.s32 s23, $0x612B;
	_ =	swait.ge [sflag:s17], $0x3E8  }
0x46: {  	[sflag:s17] =	ssyncset.done $0x0  }
0x47: {  	s23 =	sadd.s32 s22, s14;
	s22 =	smov.u32 s25;
	[sflag:s17] =	ssyncadd.s32 $0xFFFFFC18  }
0x48: {  	[tilespmem:s18], [sflag:$0x1] =	stream.linear.gather [hbm4b:s23+s3], $0x3E8, $0x38;
	[tilespmem:$0x1CE50] =	vst v63  }
0x49: {  	_ =	swait.ge [sflag:s17], $0x3E8  }
0x4a: {  	[sflag:s17] =	ssyncset.done $0x0  }
0x4b: {  	[sflag:s17] =	ssyncadd.s32 $0xFFFFFC18  }
0x4c: {  	[tilespmem:s16], [sflag:$0x1] =	stream.indirect.gather [hbm4b:s4+s18], $0x10, s3, s18, $0xb8;
	[tilespmem:$0x1CE50] =	vst v63  }
0x4d: {  	_ =	swait.ge [sflag:s17], $0x3E80  }
.Ltmp1:
0x4e: {  	[sflag:s17] =	ssyncset.done $0x0;
	(pc) =	sbr.rel @p0 .LBB2_4-.Ltmp1, $4  }
0x4f: {  	[sflag:s17] =	ssyncadd.s32 $0xFFFFC180  }
0x50: {  	[spmem:s2] =	stream.indirect.scatter.add.f32 [tilespmem:s16], [sflag:$0x1], $0x10, s18, s18, $0xb8;
	[tilespmem:$0x1CE50] =	vst v63  }
0x51: {  	_ =	swait.ge [sflag:s17], $0x3E80  }
0x52: {  	s23 =	smov.u32 s26;
	[sflag:s17] =	ssyncset.done $0x0  }
0x53: {  	s23 =	sadd.s32 s22, s15;
	[sflag:s17] =	ssyncadd.s32 $0xFFFFC180  }
0x54: {  	[tilespmem:s3], [sflag:$0x1] =	stream.linear.gather [hbm4b:s23+s3], $0x3E8, $0x38;
	[tilespmem:$0x1CE50] =	vst v63  }
0x55: {  	_ =	swait.ge [sflag:s17], $0x3E8  }
0x56: {  	[sflag:s17] =	ssyncset.done $0x0  }
0x57: {  	s31 =	sadd.s32 s22, s14;
	[sflag:s17] =	ssyncadd.s32 $0xFFFFFC18  }
0x58: {  	[tilespmem:s18], [sflag:$0x1] =	stream.linear.gather [hbm4b:s31+s3], $0x3E8, $0x38;
	[tilespmem:$0x1CE50] =	vst v63  }
0x59: {  	_ =	swait.ge [sflag:s17], $0x3E8  }
0x5a: {  	[sflag:s17] =	ssyncset.done $0x0  }
0x5b: {  	[sflag:s17] =	ssyncadd.s32 $0xFFFFFC18  }
0x5c: {  	[tilespmem:s16], [sflag:$0x1] =	stream.indirect.gather [hbm4b:s4+s18], $0x10, s3, s18, $0xb8;
	[tilespmem:$0x1CE50] =	vst v63  }
0x5d: {  	_ =	swait.ge [sflag:s17], $0x3E80  }
0x5e: {  	[sflag:s17] =	ssyncset.done $0x0  }
0x5f: {  	[sflag:s17] =	ssyncadd.s32 $0xFFFFC180  }
0x60: {  	[spmem:s2] =	stream.indirect.scatter.add.f32 [tilespmem:s16], [sflag:$0x1], $0x10, s18, s18, $0xb8;
	[tilespmem:$0x1CE50] =	vst v63  }
0x61: {  	_ =	swait.ge [sflag:s17], $0x3E80  }
0x62: {  	s21 =	sadd.s32 $0x1, s21;
	[sflag:s17] =	ssyncset.done $0x0  }
0x63: {  	p0 =	sne.s32 s21, s8;
	[sflag:s17] =	ssyncadd.s32 $0xFFFFC180  }
.Ltmp2:
0x64: {  	[bflag:$0x0] =	sbarrier.arrive $0xFFFF;
	(pc) =	sbr.rel @p0 .LBB2_1-.Ltmp2, $4  }
0x65: {  	[hbm:s7], [sflag:s19] =	dma.local [spmem:s20], $0x3100  }
0x66: {  	_ =	swait.ge [sflag:s17], $0x3100  }
0x67: {  	[sflag:s17] =	ssyncset.done $0x0  }
0x68: {  	[sflag:s17] =	ssyncadd.s32 $0xFFFFCF00  }
0x69: {  	_ =	sfence.sel $0x180000  }
0x6a: {  	[bflag:$0x0] =	sbarrier.arrive $0xFFFF  }
0x6b: {  	p0 =	sne.s32 s0, $0x0;
	_ =	strace $0x9000004A  }
0x6c: {  	s0 =	sadd.s32 @!p0 $0x100000, s1;
	[bflag:$0x2] =	sbarrier.arrive $0xFFFF  }
0x6d: {  	[sflag:s0] =	ssyncadd.tile.s32 @!p0 $0x1;
	_ =	shalt  }
.Lfunc_end2:
_tile_overlayer_lowered:
.L_overlay_start_2:
0x6e: {  	(tag) =	ssettag $0x2  }
0x6f: {  	s0 =	rddreg [dreg:$0x0];
	s2 =	stileid.u32  }
0x70: {  	s1 =	rddreg [dreg:$0x1];
	p0 =	sne.s32 s2, $0x0  }
0x71: {  	s3 =	rddreg [dreg:$0x2];
	[bflag:$0x3] =	sbarrier.arrive $0xFFFF;
	s2 =	simm.s32 @!p0 $0x1C01  }
0x72: {  	[timem:s3], [sflag:s2] =	dma.local @!p0 [hbm:s0], s1  }
0x73: {  	s0 =	simm.s32 @!p0 $0x1  }
0x74: {  	_ =	swait.ge @!p0 [sflag:s0], s1  }
0x75: {  	s1 =	ssub.s32 @!p0 $0x0, s1;
	[sflag:s0] =	ssyncset.done @!p0 $0x0  }
0x76: {  	[sflag:s0] =	ssyncadd.s32 @!p0 s1  }
0x77: {  	[bflag:$0x3] =	sbarrier.arrive $0xFFFF  }
0x78: {  	_ =	shalt  }

// kernel: kernel.14.cloned.1.call-start
scs
__scs_entry_jumppad:
0x0: {  	(pc) =	sbr.rel $0x88, $3  }
0x1: {  	(tag) =	ssettag $0x0;
	lr =	simm.s32 $0x1  }
0x2: {  	[smem:$0x3F9B] =	sst lr;
	_ =	strace $0xD0000000  }
0x3: {  	_ = 	snop  }
0x4: {  	_ = 	snop  }
0x5: {  	_ = 	snop  }
0x6: {  	_ = 	snop  }
0x7: {  	_ = 	snop  }
__scs_overlays_trampoline_lowered:
0x8: {  	[smem:$0x3FAA] =	sst s0  }
0x9: {  	[smem:$0x3FAB] =	sst s1  }
0xa: {  	[smem:$0x3FAC] =	sst s2  }
0xb: {  	[smem:$0x3FAD] =	sst s3  }
0xc: {  	[smem:$0x3FAE] =	sst s4  }
0xd: {  	[smem:$0x3FAF] =	sst s5  }
0xe: {  	[smem:$0x3FB0] =	sst s6  }
0xf: {  	[smem:$0x3FB1] =	sst s7  }
0x10: {  	[smem:$0x3FB2] =	sst s8  }
0x11: {  	[smem:$0x3FB3] =	sst s9;
	s0 =	simm.s32 @!p0 $0x0  }
0x12: {  	s1 =	sld [smem:$0x3F99];
	s0 =	simm.s32 @p0 $0x1  }
0x13: {  	[smem:$0x3FB4] =	sst s0;
	s0 =	simm.s32 @!p1 $0x0  }
0x14: {  	s2 =	sld [smem:$0x3F98];
	s0 =	simm.s32 @p1 $0x1  }
0x15: {  	[smem:$0x3FB5] =	sst s0;
	s0 =	simm.s32 @!p2 $0x0  }
0x16: {  	s3 =	sld [smem:$0x3FDB];
	s0 =	simm.s32 @p2 $0x1  }
0x17: {  	s4 =	simm.s32 $0x1BF5;
	[smem:$0x3FB7] =	sst s0  }
0x18: {  	s0 =	sld [smem:$0x3F9A];
	_ =	swait.ge [sflag:s4], $0x0  }
0x19: {  	s7 =	sld [smem:$0x3F9B]  }
0x1a: {  	s8 =	sadd.s32 $0xFFFFE003, lr  }
0x1b: {  	s9 =	sadd.s32 $0xFFFFFEF7, lr;
	s5 =	simm.s32 $0xFFFFFFFF;
	p2 =	slt.u32 s8, $0xFFFFF086  }
0x1c: {  	p1 =	slt.u32 s9, $0xF7A;
	s5 =	simm.s32 @!p2 $0x0  }
0x1d: {  	s5 =	simm.s32 @p1 $0x1;
	p0 =	seq.s32 s7, s2  }
0x1e: {  	s7 =	smul.u32 @!p0 $0xF7A, s2;
	p2 =	seq.s32 @!p0 s5, $0x0  }
0x1f: {  	s9 =	smul.u32 $0xF7A, s1;
	s8 =	simm.s32 @!p0 $0x1BF5;
	p2 =	por !p2, p0  }
0x20: {  	[sflag:s8] =	ssyncset.s32 @!p0 $0xFFFFF086;
	s6 =	sadd.s32 @!p0 s3, s7;
	s7 =	simm.s32 @!p0 $0x108  }
0x21: {  	s3 =	sadd.s32 s3, s9;
	s6 =	sadd.s32 @!p0 $0x88, s6;
	s7 =	simm.s32 @p2 $0x1082  }
0x22: {  	[simem:s7], [sflag:s8] =	dma.local @!p0 [hbm:s6], $0xF7A  }
0x23: {  	s9 =	sor.u32 $0xD0000000, s2;
	s6 =	simm.s32 $0x108;
	_ =	swait.ge @!p0 [sflag:s8], $0x0  }
0x24: {  	s3 =	sadd.s32 $0x88, s3;
	s6 =	simm.s32 @!p1 $0x1082;
	[sflag:s4] =	ssyncset.s32 $0xFFFFF086  }
0x25: {  	[simem:s6], [sflag:s4] =	dma.local [hbm:s3], $0xF7A  }
0x26: {  	[smem:$0x3F9B] =	sst s1;
	(tag) =	ssettag s2;
	_ =	strace s9  }
0x27: {  	s1 =	sld [smem:$0x3FAB]  }
0x28: {  	s2 =	sld [smem:$0x3FAC]  }
0x29: {  	s4 =	sld [smem:$0x3FAE]  }
0x2a: {  	p0 =	seq.s32 s5, $0x0;
	s5 =	sld [smem:$0x3FAF]  }
0x2b: {  	s6 =	sld [smem:$0x3FB0]  }
0x2c: {  	s7 =	sld [smem:$0x3FB1]  }
0x2d: {  	s3 =	simm.s32 $0x108;
	s8 =	sld [smem:$0x3FB2]  }
0x2e: {  	s3 =	simm.s32 @!p0 $0x1082;
	s9 =	sld [smem:$0x3FB3]  }
0x2f: {  	lr =	sadd.s32 s0, s3;
	s0 =	sld [smem:$0x3FAA]  }
0x30: {  	s3 =	sld [smem:$0x3FAD]  }
0x31: {  	[smem:$0x3FB6] =	sst s10  }
0x32: {  	s10 =	sld [smem:$0x3FB4];
	_ =	sdelay $0x3  }
0x33: {  	p0 =	seq.s32 s10, $0x1;
	s10 =	sld [smem:$0x3FB6];
	_ =	sdelay $0x3  }
0x34: {  	[smem:$0x3FB6] =	sst s10  }
0x35: {  	s10 =	sld [smem:$0x3FB5];
	_ =	sdelay $0x3  }
0x36: {  	p1 =	seq.s32 s10, $0x1;
	s10 =	sld [smem:$0x3FB6];
	_ =	sdelay $0x3  }
0x37: {  	[smem:$0x3FB6] =	sst s10  }
0x38: {  	s10 =	sld [smem:$0x3FB7]  }
0x39: {  	_ = 	snop;
	(pc) =	sbr.ind lr, $3  }
0x3a: {  	_ = 	snop  }
0x3b: {  	_ = 	snop  }
0x3c: {  	p2 =	seq.s32 s10, $0x1;
	s10 =	sld [smem:$0x3FB6]  }
0x3d: {  	_ =	shalt  }
0x3e: {  	_ =	shalt  }
0x3f: {  	_ =	shalt  }
0x40: {  	_ =	shalt  }
0x41: {  	_ =	shalt  }
0x42: {  	_ =	shalt  }
0x43: {  	_ =	shalt  }
0x44: {  	_ =	shalt  }
0x45: {  	_ =	shalt  }
0x46: {  	_ =	shalt  }
0x47: {  	_ =	shalt  }
0x48: {  	_ =	shalt  }
0x49: {  	_ =	shalt  }
0x4a: {  	_ =	shalt  }
0x4b: {  	_ =	shalt  }
0x4c: {  	_ =	shalt  }
0x4d: {  	_ =	shalt  }
0x4e: {  	_ =	shalt  }
0x4f: {  	_ =	shalt  }
0x50: {  	_ =	shalt  }
0x51: {  	_ =	shalt  }
0x52: {  	_ =	shalt  }
0x53: {  	_ =	shalt  }
0x54: {  	_ =	shalt  }
0x55: {  	_ =	shalt  }
0x56: {  	_ =	shalt  }
0x57: {  	_ =	shalt  }
0x58: {  	_ =	shalt  }
0x59: {  	_ =	shalt  }
0x5a: {  	_ =	shalt  }
0x5b: {  	_ =	shalt  }
0x5c: {  	_ =	shalt  }
0x5d: {  	_ =	shalt  }
0x5e: {  	_ =	shalt  }
0x5f: {  	_ =	shalt  }
0x60: {  	_ =	shalt  }
0x61: {  	_ =	shalt  }
0x62: {  	_ =	shalt  }
0x63: {  	_ =	shalt  }
0x64: {  	_ =	shalt  }
0x65: {  	_ =	shalt  }
0x66: {  	_ =	shalt  }
0x67: {  	_ =	shalt  }
0x68: {  	_ =	shalt  }
0x69: {  	_ =	shalt  }
0x6a: {  	_ =	shalt  }
0x6b: {  	_ =	shalt  }
0x6c: {  	_ =	shalt  }
0x6d: {  	_ =	shalt  }
0x6e: {  	_ =	shalt  }
0x6f: {  	_ =	shalt  }
0x70: {  	_ =	shalt  }
0x71: {  	_ =	shalt  }
0x72: {  	_ =	shalt  }
0x73: {  	_ =	shalt  }
0x74: {  	_ =	shalt  }
0x75: {  	_ =	shalt  }
0x76: {  	_ =	shalt  }
0x77: {  	_ =	shalt  }
0x78: {  	_ =	shalt  }
0x79: {  	_ =	shalt  }
0x7a: {  	_ =	shalt  }
0x7b: {  	_ =	shalt  }
0x7c: {  	_ =	shalt  }
0x7d: {  	_ =	shalt  }
0x7e: {  	_ =	shalt  }
0x7f: {  	_ =	shalt  }
0x80: {  	_ =	shalt  }
0x81: {  	_ =	shalt  }
0x82: {  	_ =	shalt  }
0x83: {  	_ =	shalt  }
0x84: {  	_ =	shalt  }
0x85: {  	_ =	shalt  }
0x86: {  	_ =	shalt  }
0x87: {  	_ =	shalt  }
.Lfunc_end0:
.L_simem_size_0:
called_computation.2_lowered:
.L_overlay_start_0:
0x88: {  	s2 =	sld [smem:$0x3FD9]  }
0x89: {  	s3 =	sld [smem:$0x3FFE];
	_ =	sdelay $0x1  }
0x8a: {  	s1 =	srdreg.scid  }
0x8b: {  	s0 =	sand.u32 $0x1, s1  }
0x8c: {  	s16 =	sshll.u32 s0, $0xA;
	s2 =	sadd.s32 s3, s2  }
0x8d: {  	s2 =	sadd.s32 s2, s16  }
0x8e: {  	[smem:$0x3FC2] =	sst s2  }
0x8f: {  	_ = 	snop  }
0x90: {  	(tm) =	ssettm $0x1  }
0x91: {  	s17 =	sld [smem:$0x3FFB];
	_ =	sdelay $0x3  }
0x92: {  	_ =	strace s17  }
0x93: {  	s2 =	sld [smem:$0x3FFC];
	_ =	sdelay $0x3  }
0x94: {  	_ =	strace s2  }
0x95: {  	s2 =	sld [smem:$0x3FFD];
	_ =	sdelay $0x3  }
0x96: {  	_ =	strace s2  }
0x97: {  	_ =	strace $0x8FFFFFFF  }
0x98: {  	s18 =	sld [smem:$0x3FDB];
	_ =	sdelay $0x1  }
0x99: {  	s19 =	simm.s32 $_scs_section_size  }
0x9a: {  	s4 =	simm.s32 $_size__tile_overlayer_lowered;
	s5 =	simm.s32 $_tile_overlayer_lowered  }
0x9b: {  	s22 =	simm.s32 $0x1BFF;
	s21 =	sshll.u32 s5, $0x1;
	s2 =	sadd.s32 s19, s18  }
0x9c: {  	s6 =	simm.s32 $0x0;
	s20 =	sshll.u32 s4, $0x1;
	s4 =	sadd.s32 s21, s2  }
0x9d: {  	[timem:s6], [sflag:s22] =	dma.local [hbm:s4], s20  }
0x9e: {  	_ =	swait.ge [sflag:s22], s20  }
0x9f: {  	s3 =	ssub.s32 $0x0, s20;
	[sflag:s22] =	ssyncset.done $0x0  }
0xa0: {  	[sflag:s22] =	ssyncadd.s32 s3;
	_ =	sdelay $0x1  }
0xa1: {  	s23 =	simm.s32 $0x1B8B  }
0xa2: {  	_ =	swait.ge [sflag:s23], $0x1  }
0xa3: {  	[sflag:s23] =	ssyncset.done $0x0  }
0xa4: {  	s25 =	simm.s32 $0x1B8E;
	s24 =	sld [smem:$0x3FFE];
	[sflag:s23] =	ssyncadd.s32 $0xFFFFFFFF  }
0xa5: {  	s26 =	simm.s32 $execute0_lowered;
	[smem:$0x3FD2] =	sst s25  }
0xa6: {  	s4 =	sshll.u32 s26, $0x1;
	_ =	strace $0x8000004C;
	[dreg:$0x1] =	wrdreg $0xFFFFFFFF  }
0xa7: {  	s28 =	simm.s32 $_size_execute0_lowered;
	s2 =	sadd.s32 s2, s4;
	[dreg:$0x0] =	wrdreg $0x0  }
0xa8: {  	s4 =	sshll.u32 s28, $0x1;
	[dreg:$0x2] =	wrdreg s2  }
0xa9: {  	[dreg:$0x3] =	wrdreg s4  }
0xaa: {  	[dreg:$0x4] =	wrdreg $0xC0  }
0xab: {  	_ =	task [dreg:s6], $0x5FFFF  }
0xac: {  	[dreg:$0x1] =	wrdreg $0xFFFFFFFF  }
0xad: {  	[dreg:$0x0] =	wrdreg $0x60  }
0xae: {  	[dreg:$0x2] =	wrdreg s24  }
0xaf: {  	[dreg:$0x3] =	wrdreg $0x49000  }
0xb0: {  	[dreg:$0x4] =	wrdreg $0x30800  }
0xb1: {  	[dreg:$0x5] =	wrdreg $0x9  }
0xb2: {  	_ =	task.clear_ibuf [dreg:s6], $0x6FFFF;
	_ =	strace $0x9000004C  }
0xb3: {  	s29 =	simm.s32 $0x9;
	_ =	strace $0x8000004E  }
0xb4: {  	_ =	swait.ge [sflag:s29], $0x1  }
0xb5: {  	[sflag:s29] =	ssyncadd.s32 $0xFFFFFFFF  }
0xb6: {  	_ =	strace $0x9000004E  }
0xb7: {  	_ =	sfence  }
0xb8: {  	s30 =	sld [smem:$0x0];
	_ =	sdelay $0x2  }
0xb9: {  	s31 =	sshll.u32 s1, $0xD;
	s1 =	sshrl.u32 s1, $0x2  }
0xba: {  	s3 =	sand.u32 $0x4000, s31;
	s1 =	sadd.s32 s1, s30  }
0xbb: {  	s0 =	sor.u32 s3, s0;
	s1 =	sshll.u32 s1, $0x11  }
0xbc: {  	s0 =	sor.u32 s1, s0  }
0xbd: {  	s0 =	sadd.s32 $0x8F2B, s0  }
0xbe: {  	[sflag:s0] =	ssyncadd.remote.s32 $0x1  }
0xbf: {  	_ =	sfence.sel $0xFFFF  }
0xc0: {  	[dreg:$0x0] =	wrdreg $0xFFFFFFFF;
	(pc) =	sbr.abs _section_cstart, $3  }
0xc1: {  	[dreg:$0x1] =	wrdreg $0xFFFFFFFF  }
0xc2: {  	_ =	task.clear_ibuf [dreg:s6], $0x2FFFF;
	_ =	strace $0x9FFFFFFF  }
0xc3: {  	(tm) =	ssettm $0x7FFFFFFF  }
tec
execute0_lowered:
.L_overlay_start_1:
0x0: {  	(tag) =	ssettag $0x1  }
0x1: {  	s5 =	rddreg [dreg:$0x0]  }
0x2: {  	s1 =	rddreg [dreg:$0x1];
	s0 =	stileid.u32  }
0x3: {  	s2 =	srdreg.scid;
	s3 =	rddreg [dreg:$0x2];
	s4 =	simm.s32 $0x0  }
0x4: {  	s12 =	simm.s32 $0x1;
	s15 =	simm.s32 $0x800;
	s16 =	simm.s32 $0x7D0  }
0x5: {  	s17 =	simm.s32 $0x1000;
	s19 =	simm.s32 $0x0;
	s6 =	smul.u32 $0x1880, s0  }
0x6: {  	s7 =	sand.u32 $0x1, s2;
	s8 =	smul.u32 $0x61A80, s0;
	s2 =	rddreg [dreg:$0x3]  }
0x7: {  	[smem:$0x7FF] =	sst s4;
	s13 =	sshll.u32 s0, $0x6;
	s9 =	smul.u32 $0x30D40, s7  }
0x8: {  	s10 =	smul.u32 $0x18800, s7;
	_ =	strace $0x8000004D;
	s7 =	ssub.s32 $0x2, s7  }
0x9: {  	s13 =	sor.u32 $0x1C01, s13;
	s11 =	sshrl.u32 s6, $0x3;
	s30 =	sshrl.u32 s7, $0x1  }
0xa: {  	s14 =	sadd.s32 s6, s3;
	s11 =	sadd.s32 s11, s5;
	s8 =	sadd.s32 s9, s8  }
0xb: {  	s26 =	sadd.s32 s6, s10;
	s31 =	ssub.s32 s7, s30;
	s8 =	sshrl.u32 s8, $0x3  }
0xc: {  	s14 =	sshrl.u32 s14, $0x3;
	s9 =	sshrl.u32 s26, $0x3;
	s28 =	sadd.s32 s8, s5  }
0xd: {  	s29 =	sadd.s32 s9, s5;
	s5 =	sadd.s32 s6, s1;
	s6 =	sadd.s32 $0x30F000, s11  }
0xe: {  	s8 =	smax.u32 s31, $0x1;
	s11 =	simm.s32 $0x1800;
	s7 =	sadd.s32 $0x312200, s29  }
0xf: {  	v0 =	vimm.f32 $0.0e+00;
	s9 =	sadd.s32 $0xC5000, s28;
	s10 =	sadd.s32 $0x1A00, s28;
	s18 =	sshrl.u32 s5, $0x3  }
.LBB2_1:
0x10: {  	s20 =	simm.s32 $0x40;
	s21 =	simm.s32 $0x0  }
.LBB2_2:
0x11: {  	p0 =	sne.s32 s20, $0x61C0;
	[tilespmem:s21+$0x1800] =	vst v0;
	s21 =	smov.u32 s20;
	s20 =	sadd.s32 $0x40, s20  }
.Ltmp0:
0x12: {  	(pc) =	sbr.rel @p0 .LBB2_2-.Ltmp0, $2  }
0x13: {  	_ =	sdelay $0x2  }
0x14: {  	s21 =	sshra.s32 s21, $0x2  }
0x15: {  	[tilespmem:s21+$0x1800] =	vst v0  }
0x16: {  	[spmem:s5] =	stream.linear.scatter [tilespmem:s11], [sflag:$0x1], $0x1880, $0x38;
	[tilespmem:$0x6180] =	vst v63  }
0x17: {  	_ =	swait.ge [sflag:s12], $0x1880  }
0x18: {  	[sflag:s12] =	ssyncset.done $0x0  }
0x19: {  	[sflag:s12] =	ssyncadd.s32 $0xFFFFE780  }
0x1a: {  	[spmem:s14], [sflag:s13] =	dma.local [hbm:s6], $0x310  }
0x1b: {  	_ =	swait.ge [sflag:s12], $0x310  }
0x1c: {  	[sflag:s12] =	ssyncset.done $0x0  }
0x1d: {  	[sflag:s12] =	ssyncadd.s32 $0xFFFFFCF0  }
0x1e: {  	s20 =	sadd.s32 $0x0, s10;
	[bflag:$0x0] =	sbarrier.arrive $0xFFFF  }
0x1f: {  	[tilespmem:s4], [sflag:$0x1] =	stream.linear.gather [hbm4b:s20+s4], $0x7D0, $0x38;
	[tilespmem:$0x6180] =	vst v63  }
0x20: {  	_ =	swait.ge [sflag:s12], $0x7D0  }
0x21: {  	[sflag:s12] =	ssyncset.done $0x0  }
0x22: {  	s31 =	sadd.s32 $0x0, s9;
	[sflag:s12] =	ssyncadd.s32 $0xFFFFF830  }
0x23: {  	[tilespmem:s15], [sflag:$0x1] =	stream.linear.gather [hbm4b:s31+s4], $0x7D0, $0x38;
	[tilespmem:$0x6180] =	vst v63  }
0x24: {  	_ =	swait.ge [sflag:s12], $0x7D0  }
0x25: {  	[sflag:s12] =	ssyncset.done $0x0  }
0x26: {  	[sflag:s12] =	ssyncadd.s32 $0xFFFFF830  }
0x27: {  	[tilespmem:s17], [sflag:$0x1] =	stream.indirect.gather [spmem:s3], $0x1, s4, s16, $0xb8;
	[tilespmem:$0x6180] =	vst v63  }
0x28: {  	_ =	swait.ge [sflag:s12], $0x7D0  }
0x29: {  	[sflag:s12] =	ssyncset.done $0x0  }
0x2a: {  	[sflag:s12] =	ssyncadd.s32 $0xFFFFF830  }
0x2b: {  	[spmem:s1] =	stream.indirect.scatter.add.f32 [tilespmem:s17], [sflag:$0x1], $0x1, s15, s16, $0xb8;
	[tilespmem:$0x6180] =	vst v63  }
0x2c: {  	_ =	swait.ge [sflag:s12], $0x7D0  }
0x2d: {  	s21 =	simm.s32 $0x1F4;
	s20 =	simm.s32 $0xFA;
	[sflag:s12] =	ssyncset.done $0x0  }
.LBB2_4:
0x2e: {  	s22 =	sadd.s32 s20, s10  }
0x2f: {  	[sflag:s12] =	ssyncadd.s32 $0xFFFFF830;
	s23 =	smov.u32 s21;
	s24 =	sadd.s32 $0xFA, s21  }
0x30: {  	[tilespmem:s4], [sflag:$0x1] =	stream.linear.gather [hbm4b:s22+s4], $0x7D0, $0x38;
	[tilespmem:$0x6180] =	vst v63  }
0x31: {  	p0 =	sne.s32 s21, $0x60AE;
	_ =	swait.ge [sflag:s12], $0x7D0  }
0x32: {  	[sflag:s12] =	ssyncset.done $0x0  }
0x33: {  	s21 =	sadd.s32 s20, s9;
	s20 =	smov.u32 s23;
	[sflag:s12] =	ssyncadd.s32 $0xFFFFF830  }
0x34: {  	[tilespmem:s15], [sflag:$0x1] =	stream.linear.gather [hbm4b:s21+s4], $0x7D0, $0x38;
	[tilespmem:$0x6180] =	vst v63  }
0x35: {  	_ =	swait.ge [sflag:s12], $0x7D0  }
0x36: {  	[sflag:s12] =	ssyncset.done $0x0  }
0x37: {  	[sflag:s12] =	ssyncadd.s32 $0xFFFFF830  }
0x38: {  	[tilespmem:s17], [sflag:$0x1] =	stream.indirect.gather [spmem:s3], $0x1, s4, s16, $0xb8;
	[tilespmem:$0x6180] =	vst v63  }
0x39: {  	_ =	swait.ge [sflag:s12], $0x7D0  }
.Ltmp1:
0x3a: {  	[sflag:s12] =	ssyncset.done $0x0;
	(pc) =	sbr.rel @p0 .LBB2_4-.Ltmp1, $4  }
0x3b: {  	[sflag:s12] =	ssyncadd.s32 $0xFFFFF830  }
0x3c: {  	[spmem:s1] =	stream.indirect.scatter.add.f32 [tilespmem:s17], [sflag:$0x1], $0x1, s15, s16, $0xb8;
	[tilespmem:$0x6180] =	vst v63  }
0x3d: {  	_ =	swait.ge [sflag:s12], $0x7D0  }
0x3e: {  	s21 =	smov.u32 s24;
	[sflag:s12] =	ssyncset.done $0x0  }
0x3f: {  	s21 =	sadd.s32 s20, s10;
	[sflag:s12] =	ssyncadd.s32 $0xFFFFF830  }
0x40: {  	[tilespmem:s4], [sflag:$0x1] =	stream.linear.gather [hbm4b:s21+s4], $0x7D0, $0x38;
	[tilespmem:$0x6180] =	vst v63  }
0x41: {  	_ =	swait.ge [sflag:s12], $0x7D0  }
0x42: {  	[sflag:s12] =	ssyncset.done $0x0  }
0x43: {  	s31 =	sadd.s32 s20, s9;
	[sflag:s12] =	ssyncadd.s32 $0xFFFFF830  }
0x44: {  	[tilespmem:s15], [sflag:$0x1] =	stream.linear.gather [hbm4b:s31+s4], $0x7D0, $0x38;
	[tilespmem:$0x6180] =	vst v63  }
0x45: {  	_ =	swait.ge [sflag:s12], $0x7D0  }
0x46: {  	[sflag:s12] =	ssyncset.done $0x0  }
0x47: {  	[sflag:s12] =	ssyncadd.s32 $0xFFFFF830  }
0x48: {  	[tilespmem:s17], [sflag:$0x1] =	stream.indirect.gather [spmem:s3], $0x1, s4, s16, $0xb8;
	[tilespmem:$0x6180] =	vst v63  }
0x49: {  	_ =	swait.ge [sflag:s12], $0x7D0  }
0x4a: {  	[sflag:s12] =	ssyncset.done $0x0  }
0x4b: {  	[sflag:s12] =	ssyncadd.s32 $0xFFFFF830  }
0x4c: {  	[spmem:s1] =	stream.indirect.scatter.add.f32 [tilespmem:s17], [sflag:$0x1], $0x1, s15, s16, $0xb8;
	[tilespmem:$0x6180] =	vst v63  }
0x4d: {  	_ =	swait.ge [sflag:s12], $0x7D0  }
0x4e: {  	s19 =	sadd.s32 $0x1, s19;
	[sflag:s12] =	ssyncset.done $0x0  }
0x4f: {  	p0 =	sne.s32 s19, s8;
	[sflag:s12] =	ssyncadd.s32 $0xFFFFF830  }
.Ltmp2:
0x50: {  	[bflag:$0x0] =	sbarrier.arrive $0xFFFF;
	(pc) =	sbr.rel @p0 .LBB2_1-.Ltmp2, $4  }
0x51: {  	[hbm:s7], [sflag:s13] =	dma.local [spmem:s18], $0x310  }
0x52: {  	_ =	swait.ge [sflag:s12], $0x310  }
0x53: {  	[sflag:s12] =	ssyncset.done $0x0  }
0x54: {  	[sflag:s12] =	ssyncadd.s32 $0xFFFFFCF0  }
0x55: {  	_ =	sfence.sel $0x180000  }
0x56: {  	[bflag:$0x0] =	sbarrier.arrive $0xFFFF  }
0x57: {  	p0 =	sne.s32 s0, $0x0;
	_ =	strace $0x9000004D  }
0x58: {  	s0 =	sadd.s32 @!p0 $0x100000, s2;
	[bflag:$0x2] =	sbarrier.arrive $0xFFFF  }
0x59: {  	[sflag:s0] =	ssyncadd.tile.s32 @!p0 $0x1;
	_ =	shalt  }
.Lfunc_end2:
_tile_overlayer_lowered:
.L_overlay_start_2:
0x5a: {  	(tag) =	ssettag $0x2  }
0x5b: {  	s0 =	rddreg [dreg:$0x0];
	s2 =	stileid.u32  }
0x5c: {  	s1 =	rddreg [dreg:$0x1];
	p0 =	sne.s32 s2, $0x0  }
0x5d: {  	s3 =	rddreg [dreg:$0x2];
	[bflag:$0x3] =	sbarrier.arrive $0xFFFF;
	s2 =	simm.s32 @!p0 $0x1C01  }
0x5e: {  	[timem:s3], [sflag:s2] =	dma.local @!p0 [hbm:s0], s1  }
0x5f: {  	s0 =	simm.s32 @!p0 $0x1  }
0x60: {  	_ =	swait.ge @!p0 [sflag:s0], s1  }
0x61: {  	s1 =	ssub.s32 @!p0 $0x0, s1;
	[sflag:s0] =	ssyncset.done @!p0 $0x0  }
0x62: {  	[sflag:s0] =	ssyncadd.s32 @!p0 s1  }
0x63: {  	[bflag:$0x3] =	sbarrier.arrive $0xFFFF  }
0x64: {  	_ =	shalt  }

// kernel: kernel.8.cloned.1.call-start
scs
__scs_entry_jumppad:
0x0: {  	(pc) =	sbr.rel $0x88, $3  }
0x1: {  	(tag) =	ssettag $0x0;
	lr =	simm.s32 $0x1  }
0x2: {  	[smem:$0x3F9B] =	sst lr;
	_ =	strace $0xD0000000  }
0x3: {  	_ = 	snop  }
0x4: {  	_ = 	snop  }
0x5: {  	_ = 	snop  }
0x6: {  	_ = 	snop  }
0x7: {  	_ = 	snop  }
__scs_overlays_trampoline_lowered:
0x8: {  	[smem:$0x3FAA] =	sst s0  }
0x9: {  	[smem:$0x3FAB] =	sst s1  }
0xa: {  	[smem:$0x3FAC] =	sst s2  }
0xb: {  	[smem:$0x3FAD] =	sst s3  }
0xc: {  	[smem:$0x3FAE] =	sst s4  }
0xd: {  	[smem:$0x3FAF] =	sst s5  }
0xe: {  	[smem:$0x3FB0] =	sst s6  }
0xf: {  	[smem:$0x3FB1] =	sst s7  }
0x10: {  	[smem:$0x3FB2] =	sst s8  }
0x11: {  	[smem:$0x3FB3] =	sst s9;
	s0 =	simm.s32 @!p0 $0x0  }
0x12: {  	s1 =	sld [smem:$0x3F99];
	s0 =	simm.s32 @p0 $0x1  }
0x13: {  	[smem:$0x3FB4] =	sst s0;
	s0 =	simm.s32 @!p1 $0x0  }
0x14: {  	s2 =	sld [smem:$0x3F98];
	s0 =	simm.s32 @p1 $0x1  }
0x15: {  	[smem:$0x3FB5] =	sst s0;
	s0 =	simm.s32 @!p2 $0x0  }
0x16: {  	s3 =	sld [smem:$0x3FDB];
	s0 =	simm.s32 @p2 $0x1  }
0x17: {  	s4 =	simm.s32 $0x1BF5;
	[smem:$0x3FB7] =	sst s0  }
0x18: {  	s0 =	sld [smem:$0x3F9A];
	_ =	swait.ge [sflag:s4], $0x0  }
0x19: {  	s7 =	sld [smem:$0x3F9B]  }
0x1a: {  	s8 =	sadd.s32 $0xFFFFE003, lr  }
0x1b: {  	s9 =	sadd.s32 $0xFFFFFEF7, lr;
	s5 =	simm.s32 $0xFFFFFFFF;
	p2 =	slt.u32 s8, $0xFFFFF086  }
0x1c: {  	p1 =	slt.u32 s9, $0xF7A;
	s5 =	simm.s32 @!p2 $0x0  }
0x1d: {  	s5 =	simm.s32 @p1 $0x1;
	p0 =	seq.s32 s7, s2  }
0x1e: {  	s7 =	smul.u32 @!p0 $0xF7A, s2;
	p2 =	seq.s32 @!p0 s5, $0x0  }
0x1f: {  	s9 =	smul.u32 $0xF7A, s1;
	s8 =	simm.s32 @!p0 $0x1BF5;
	p2 =	por !p2, p0  }
0x20: {  	[sflag:s8] =	ssyncset.s32 @!p0 $0xFFFFF086;
	s6 =	sadd.s32 @!p0 s3, s7;
	s7 =	simm.s32 @!p0 $0x108  }
0x21: {  	s3 =	sadd.s32 s3, s9;
	s6 =	sadd.s32 @!p0 $0x88, s6;
	s7 =	simm.s32 @p2 $0x1082  }
0x22: {  	[simem:s7], [sflag:s8] =	dma.local @!p0 [hbm:s6], $0xF7A  }
0x23: {  	s9 =	sor.u32 $0xD0000000, s2;
	s6 =	simm.s32 $0x108;
	_ =	swait.ge @!p0 [sflag:s8], $0x0  }
0x24: {  	s3 =	sadd.s32 $0x88, s3;
	s6 =	simm.s32 @!p1 $0x1082;
	[sflag:s4] =	ssyncset.s32 $0xFFFFF086  }
0x25: {  	[simem:s6], [sflag:s4] =	dma.local [hbm:s3], $0xF7A  }
0x26: {  	[smem:$0x3F9B] =	sst s1;
	(tag) =	ssettag s2;
	_ =	strace s9  }
0x27: {  	s1 =	sld [smem:$0x3FAB]  }
0x28: {  	s2 =	sld [smem:$0x3FAC]  }
0x29: {  	s4 =	sld [smem:$0x3FAE]  }
0x2a: {  	p0 =	seq.s32 s5, $0x0;
	s5 =	sld [smem:$0x3FAF]  }
0x2b: {  	s6 =	sld [smem:$0x3FB0]  }
0x2c: {  	s7 =	sld [smem:$0x3FB1]  }
0x2d: {  	s3 =	simm.s32 $0x108;
	s8 =	sld [smem:$0x3FB2]  }
0x2e: {  	s3 =	simm.s32 @!p0 $0x1082;
	s9 =	sld [smem:$0x3FB3]  }
0x2f: {  	lr =	sadd.s32 s0, s3;
	s0 =	sld [smem:$0x3FAA]  }
0x30: {  	s3 =	sld [smem:$0x3FAD]  }
0x31: {  	[smem:$0x3FB6] =	sst s10  }
0x32: {  	s10 =	sld [smem:$0x3FB4];
	_ =	sdelay $0x3  }
0x33: {  	p0 =	seq.s32 s10, $0x1;
	s10 =	sld [smem:$0x3FB6];
	_ =	sdelay $0x3  }
0x34: {  	[smem:$0x3FB6] =	sst s10  }
0x35: {  	s10 =	sld [smem:$0x3FB5];
	_ =	sdelay $0x3  }
0x36: {  	p1 =	seq.s32 s10, $0x1;
	s10 =	sld [smem:$0x3FB6];
	_ =	sdelay $0x3  }
0x37: {  	[smem:$0x3FB6] =	sst s10  }
0x38: {  	s10 =	sld [smem:$0x3FB7]  }
0x39: {  	_ = 	snop;
	(pc) =	sbr.ind lr, $3  }
0x3a: {  	_ = 	snop  }
0x3b: {  	_ = 	snop  }
0x3c: {  	p2 =	seq.s32 s10, $0x1;
	s10 =	sld [smem:$0x3FB6]  }
0x3d: {  	_ =	shalt  }
0x3e: {  	_ =	shalt  }
0x3f: {  	_ =	shalt  }
0x40: {  	_ =	shalt  }
0x41: {  	_ =	shalt  }
0x42: {  	_ =	shalt  }
0x43: {  	_ =	shalt  }
0x44: {  	_ =	shalt  }
0x45: {  	_ =	shalt  }
0x46: {  	_ =	shalt  }
0x47: {  	_ =	shalt  }
0x48: {  	_ =	shalt  }
0x49: {  	_ =	shalt  }
0x4a: {  	_ =	shalt  }
0x4b: {  	_ =	shalt  }
0x4c: {  	_ =	shalt  }
0x4d: {  	_ =	shalt  }
0x4e: {  	_ =	shalt  }
0x4f: {  	_ =	shalt  }
0x50: {  	_ =	shalt  }
0x51: {  	_ =	shalt  }
0x52: {  	_ =	shalt  }
0x53: {  	_ =	shalt  }
0x54: {  	_ =	shalt  }
0x55: {  	_ =	shalt  }
0x56: {  	_ =	shalt  }
0x57: {  	_ =	shalt  }
0x58: {  	_ =	shalt  }
0x59: {  	_ =	shalt  }
0x5a: {  	_ =	shalt  }
0x5b: {  	_ =	shalt  }
0x5c: {  	_ =	shalt  }
0x5d: {  	_ =	shalt  }
0x5e: {  	_ =	shalt  }
0x5f: {  	_ =	shalt  }
0x60: {  	_ =	shalt  }
0x61: {  	_ =	shalt  }
0x62: {  	_ =	shalt  }
0x63: {  	_ =	shalt  }
0x64: {  	_ =	shalt  }
0x65: {  	_ =	shalt  }
0x66: {  	_ =	shalt  }
0x67: {  	_ =	shalt  }
0x68: {  	_ =	shalt  }
0x69: {  	_ =	shalt  }
0x6a: {  	_ =	shalt  }
0x6b: {  	_ =	shalt  }
0x6c: {  	_ =	shalt  }
0x6d: {  	_ =	shalt  }
0x6e: {  	_ =	shalt  }
0x6f: {  	_ =	shalt  }
0x70: {  	_ =	shalt  }
0x71: {  	_ =	shalt  }
0x72: {  	_ =	shalt  }
0x73: {  	_ =	shalt  }
0x74: {  	_ =	shalt  }
0x75: {  	_ =	shalt  }
0x76: {  	_ =	shalt  }
0x77: {  	_ =	shalt  }
0x78: {  	_ =	shalt  }
0x79: {  	_ =	shalt  }
0x7a: {  	_ =	shalt  }
0x7b: {  	_ =	shalt  }
0x7c: {  	_ =	shalt  }
0x7d: {  	_ =	shalt  }
0x7e: {  	_ =	shalt  }
0x7f: {  	_ =	shalt  }
0x80: {  	_ =	shalt  }
0x81: {  	_ =	shalt  }
0x82: {  	_ =	shalt  }
0x83: {  	_ =	shalt  }
0x84: {  	_ =	shalt  }
0x85: {  	_ =	shalt  }
0x86: {  	_ =	shalt  }
0x87: {  	_ =	shalt  }
.Lfunc_end0:
.L_simem_size_0:
called_computation_lowered:
.L_overlay_start_0:
0x88: {  	s2 =	sld [smem:$0x3FD9]  }
0x89: {  	s3 =	sld [smem:$0x3FFE];
	_ =	sdelay $0x1  }
0x8a: {  	s1 =	srdreg.scid  }
0x8b: {  	s0 =	sand.u32 $0x1, s1  }
0x8c: {  	s16 =	sshll.u32 s0, $0xA;
	s2 =	sadd.s32 s3, s2  }
0x8d: {  	s2 =	sadd.s32 s2, s16  }
0x8e: {  	[smem:$0x3FC2] =	sst s2  }
0x8f: {  	_ = 	snop  }
0x90: {  	(tm) =	ssettm $0x1  }
0x91: {  	s17 =	sld [smem:$0x3FFB];
	_ =	sdelay $0x3  }
0x92: {  	_ =	strace s17  }
0x93: {  	s2 =	sld [smem:$0x3FFC];
	_ =	sdelay $0x3  }
0x94: {  	_ =	strace s2  }
0x95: {  	s2 =	sld [smem:$0x3FFD];
	_ =	sdelay $0x3  }
0x96: {  	_ =	strace s2  }
0x97: {  	_ =	strace $0x8FFFFFFF  }
0x98: {  	s18 =	sld [smem:$0x3FDB];
	_ =	sdelay $0x1  }
0x99: {  	s19 =	simm.s32 $_scs_section_size  }
0x9a: {  	s4 =	simm.s32 $_size__tile_overlayer_lowered;
	s5 =	simm.s32 $_tile_overlayer_lowered  }
0x9b: {  	s22 =	simm.s32 $0x1BFF;
	s21 =	sshll.u32 s5, $0x1;
	s2 =	sadd.s32 s19, s18  }
0x9c: {  	s6 =	simm.s32 $0x0;
	s20 =	sshll.u32 s4, $0x1;
	s4 =	sadd.s32 s21, s2  }
0x9d: {  	[timem:s6], [sflag:s22] =	dma.local [hbm:s4], s20  }
0x9e: {  	_ =	swait.ge [sflag:s22], s20  }
0x9f: {  	s3 =	ssub.s32 $0x0, s20;
	[sflag:s22] =	ssyncset.done $0x0  }
0xa0: {  	[sflag:s22] =	ssyncadd.s32 s3;
	_ =	sdelay $0x1  }
0xa1: {  	s23 =	simm.s32 $0x1B8B  }
0xa2: {  	_ =	swait.ge [sflag:s23], $0x1  }
0xa3: {  	[sflag:s23] =	ssyncset.done $0x0  }
0xa4: {  	s25 =	simm.s32 $0x1B8E;
	s24 =	sld [smem:$0x3FFE];
	[sflag:s23] =	ssyncadd.s32 $0xFFFFFFFF  }
0xa5: {  	s26 =	simm.s32 $execute0_lowered;
	[smem:$0x3FD2] =	sst s25  }
0xa6: {  	s4 =	sshll.u32 s26, $0x1;
	_ =	strace $0x80000046;
	[dreg:$0x1] =	wrdreg $0xFFFFFFFF  }
0xa7: {  	s28 =	simm.s32 $_size_execute0_lowered;
	s2 =	sadd.s32 s2, s4;
	[dreg:$0x0] =	wrdreg $0x0  }
0xa8: {  	s4 =	sshll.u32 s28, $0x1;
	[dreg:$0x2] =	wrdreg s2  }
0xa9: {  	[dreg:$0x3] =	wrdreg s4  }
0xaa: {  	[dreg:$0x4] =	wrdreg $0xC0  }
0xab: {  	_ =	task [dreg:s6], $0x5FFFF  }
0xac: {  	[dreg:$0x1] =	wrdreg $0xFFFFFFFF  }
0xad: {  	[dreg:$0x0] =	wrdreg $0x60  }
0xae: {  	[dreg:$0x2] =	wrdreg s24  }
0xaf: {  	[dreg:$0x3] =	wrdreg $0x28800  }
0xb0: {  	[dreg:$0x4] =	wrdreg $0x9  }
0xb1: {  	_ =	task.clear_ibuf [dreg:s6], $0x5FFFF;
	_ =	strace $0x90000046  }
0xb2: {  	s29 =	simm.s32 $0x9;
	_ =	strace $0x80000048  }
0xb3: {  	_ =	swait.ge [sflag:s29], $0x1  }
0xb4: {  	[sflag:s29] =	ssyncadd.s32 $0xFFFFFFFF  }
0xb5: {  	_ =	strace $0x90000048  }
0xb6: {  	_ =	sfence  }
0xb7: {  	s30 =	sld [smem:$0x0];
	_ =	sdelay $0x2  }
0xb8: {  	s31 =	sshll.u32 s1, $0xD;
	s1 =	sshrl.u32 s1, $0x2  }
0xb9: {  	s3 =	sand.u32 $0x4000, s31;
	s1 =	sadd.s32 s1, s30  }
0xba: {  	s0 =	sor.u32 s3, s0;
	s1 =	sshll.u32 s1, $0x11  }
0xbb: {  	s0 =	sor.u32 s1, s0  }
0xbc: {  	s0 =	sadd.s32 $0x8F2B, s0  }
0xbd: {  	[sflag:s0] =	ssyncadd.remote.s32 $0x1  }
0xbe: {  	_ =	sfence.sel $0xFFFF  }
0xbf: {  	[dreg:$0x0] =	wrdreg $0xFFFFFFFF;
	(pc) =	sbr.abs _section_cstart, $3  }
0xc0: {  	[dreg:$0x1] =	wrdreg $0xFFFFFFFF  }
0xc1: {  	_ =	task.clear_ibuf [dreg:s6], $0x2FFFF;
	_ =	strace $0x9FFFFFFF  }
0xc2: {  	(tm) =	ssettm $0x7FFFFFFF  }
0xc3: {  	_ =	shalt  }
tec
execute0_lowered:
.L_overlay_start_1:
0x0: {  	(tag) =	ssettag $0x1  }
0x1: {  	s1 =	srdreg.scid;
	s4 =	rddreg [dreg:$0x0]  }
0x2: {  	s0 =	stileid.u32;
	s2 =	rddreg [dreg:$0x1]  }
0x3: {  	s3 =	simm.s32 $0x0;
	s11 =	simm.s32 $0x800;
	s6 =	smul.u32 $0x61A80, s0  }
0x4: {  	s5 =	sand.u32 $0x1, s1;
	s1 =	rddreg [dreg:$0x2];
	s8 =	smul.u32 $0x1880, s0  }
0x5: {  	s14 =	simm.s32 $0x0;
	[smem:$0x7FF] =	sst s3;
	s7 =	smul.u32 $0x30D40, s5  }
0x6: {  	s12 =	sshll.u32 s0, $0x6;
	s9 =	smul.u32 $0x18800, s5;
	s5 =	ssub.s32 $0x2, s5  }
0x7: {  	_ =	strace $0x80000047;
	s12 =	sor.u32 $0x1C01, s12;
	s29 =	sshrl.u32 s5, $0x1  }
0x8: {  	s6 =	sadd.s32 s7, s6;
	s28 =	sadd.s32 s8, s9;
	s31 =	ssub.s32 s5, s29  }
0x9: {  	s9 =	simm.s32 $0x1;
	s6 =	sshrl.u32 s6, $0x3;
	s7 =	sshrl.u32 s28, $0x3  }
0xa: {  	s10 =	sadd.s32 s6, s4;
	s30 =	sadd.s32 s7, s4;
	s4 =	sadd.s32 s8, s2  }
0xb: {  	s6 =	smax.u32 s31, $0x1;
	s8 =	simm.s32 $0x1000;
	s5 =	sadd.s32 $0x188600, s30  }
0xc: {  	v0 =	vimm.f32 $1.000000000e+00;
	v1 =	vimm.f32 $0.0e+00;
	s7 =	sadd.s32 $0xC5000, s10;
	s10 =	simm.s32 $0x7D0;
	s13 =	sshrl.u32 s4, $0x3  }
.LBB2_1:
0xd: {  	s15 =	simm.s32 $0x0  }
.LBB2_2:
0xe: {  	p0 =	sne.s32 s15, $0x1F00  }
.Ltmp0:
0xf: {  	_ = 	snop;
	(pc) =	sbr.rel @p0 .LBB2_2-.Ltmp0, $3  }
0x10: {  	_ =	sdelay $0x1  }
0x11: {  	s16 =	sshra.s32 s15, $0x2  }
0x12: {  	s15 =	sadd.s32 $0x40, s15;
	[tilespmem:s16+$0x800] =	vst v0  }
0x13: {  	s15 =	simm.s32 $0x40;
	s16 =	simm.s32 $0x0  }
.LBB2_4:
0x14: {  	p0 =	sne.s32 s15, $0x61C0;
	[tilespmem:s16+$0x1000] =	vst v1;
	s16 =	smov.u32 s15;
	s15 =	sadd.s32 $0x40, s15  }
.Ltmp1:
0x15: {  	(pc) =	sbr.rel @p0 .LBB2_4-.Ltmp1, $2  }
0x16: {  	_ =	sdelay $0x2  }
0x17: {  	s16 =	sshra.s32 s16, $0x2  }
0x18: {  	[tilespmem:s16+$0x1000] =	vst v1  }
0x19: {  	[spmem:s4] =	stream.linear.scatter [tilespmem:s8], [sflag:$0x1], $0x1880, $0x38;
	[tilespmem:$0x4100] =	vst v63  }
0x1a: {  	_ =	swait.ge [sflag:s9], $0x1880  }
0x1b: {  	[sflag:s9] =	ssyncset.done $0x0  }
0x1c: {  	[sflag:s9] =	ssyncadd.s32 $0xFFFFE780  }
0x1d: {  	s15 =	sadd.s32 $0x0, s7;
	[bflag:$0x0] =	sbarrier.arrive $0xFFFF  }
0x1e: {  	[tilespmem:s3], [sflag:$0x1] =	stream.linear.gather [hbm4b:s15+s3], $0x7D0, $0x38;
	[tilespmem:$0x4100] =	vst v63  }
0x1f: {  	_ =	swait.ge [sflag:s9], $0x7D0  }
0x20: {  	[sflag:s9] =	ssyncset.done $0x0  }
0x21: {  	[sflag:s9] =	ssyncadd.s32 $0xFFFFF830  }
0x22: {  	[spmem:s2] =	stream.indirect.scatter.add.f32 [tilespmem:s11], [sflag:$0x1], $0x1, s3, s10, $0xb8;
	[tilespmem:$0x4100] =	vst v63  }
0x23: {  	_ =	swait.ge [sflag:s9], $0x7D0  }
0x24: {  	s16 =	simm.s32 $0x1F4;
	s15 =	simm.s32 $0xFA;
	[sflag:s9] =	ssyncset.done $0x0  }
.LBB2_6:
0x25: {  	s17 =	sadd.s32 s15, s7  }
0x26: {  	[sflag:s9] =	ssyncadd.s32 $0xFFFFF830;
	s15 =	smov.u32 s16;
	s18 =	sadd.s32 $0xFA, s16  }
0x27: {  	[tilespmem:s3], [sflag:$0x1] =	stream.linear.gather [hbm4b:s17+s3], $0x7D0, $0x38;
	[tilespmem:$0x4100] =	vst v63  }
0x28: {  	p0 =	sne.s32 s16, $0x60AE;
	_ =	swait.ge [sflag:s9], $0x7D0  }
.Ltmp2:
0x29: {  	[sflag:s9] =	ssyncset.done $0x0;
	(pc) =	sbr.rel @p0 .LBB2_6-.Ltmp2, $4  }
0x2a: {  	[sflag:s9] =	ssyncadd.s32 $0xFFFFF830  }
0x2b: {  	[spmem:s2] =	stream.indirect.scatter.add.f32 [tilespmem:s11], [sflag:$0x1], $0x1, s3, s10, $0xb8;
	[tilespmem:$0x4100] =	vst v63  }
0x2c: {  	_ =	swait.ge [sflag:s9], $0x7D0  }
0x2d: {  	s16 =	smov.u32 s18;
	[sflag:s9] =	ssyncset.done $0x0  }
0x2e: {  	s15 =	sadd.s32 s15, s7;
	[sflag:s9] =	ssyncadd.s32 $0xFFFFF830  }
0x2f: {  	[tilespmem:s3], [sflag:$0x1] =	stream.linear.gather [hbm4b:s15+s3], $0x7D0, $0x38;
	[tilespmem:$0x4100] =	vst v63  }
0x30: {  	_ =	swait.ge [sflag:s9], $0x7D0  }
0x31: {  	[sflag:s9] =	ssyncset.done $0x0  }
0x32: {  	[sflag:s9] =	ssyncadd.s32 $0xFFFFF830  }
0x33: {  	[spmem:s2] =	stream.indirect.scatter.add.f32 [tilespmem:s11], [sflag:$0x1], $0x1, s3, s10, $0xb8;
	[tilespmem:$0x4100] =	vst v63  }
0x34: {  	_ =	swait.ge [sflag:s9], $0x7D0  }
0x35: {  	s14 =	sadd.s32 $0x1, s14;
	[sflag:s9] =	ssyncset.done $0x0  }
0x36: {  	p0 =	sne.s32 s14, s6;
	[sflag:s9] =	ssyncadd.s32 $0xFFFFF830  }
.Ltmp3:
0x37: {  	[bflag:$0x0] =	sbarrier.arrive $0xFFFF;
	(pc) =	sbr.rel @p0 .LBB2_1-.Ltmp3, $4  }
0x38: {  	[hbm:s5], [sflag:s12] =	dma.local [spmem:s13], $0x310  }
0x39: {  	_ =	swait.ge [sflag:s9], $0x310  }
0x3a: {  	[sflag:s9] =	ssyncset.done $0x0  }
0x3b: {  	[sflag:s9] =	ssyncadd.s32 $0xFFFFFCF0  }
0x3c: {  	_ =	sfence.sel $0x180000  }
0x3d: {  	[bflag:$0x0] =	sbarrier.arrive $0xFFFF  }
0x3e: {  	p0 =	sne.s32 s0, $0x0;
	_ =	strace $0x90000047  }
0x3f: {  	s0 =	sadd.s32 @!p0 $0x100000, s1;
	[bflag:$0x2] =	sbarrier.arrive $0xFFFF  }
0x40: {  	[sflag:s0] =	ssyncadd.tile.s32 @!p0 $0x1;
	_ =	shalt  }
.Lfunc_end2:
_tile_overlayer_lowered:
.L_overlay_start_2:
0x41: {  	(tag) =	ssettag $0x2  }
0x42: {  	s0 =	rddreg [dreg:$0x0];
	s2 =	stileid.u32  }
0x43: {  	s1 =	rddreg [dreg:$0x1];
	p0 =	sne.s32 s2, $0x0  }
0x44: {  	s3 =	rddreg [dreg:$0x2];
	[bflag:$0x3] =	sbarrier.arrive $0xFFFF;
	s2 =	simm.s32 @!p0 $0x1C01  }
0x45: {  	[timem:s3], [sflag:s2] =	dma.local @!p0 [hbm:s0], s1  }
0x46: {  	s0 =	simm.s32 @!p0 $0x1  }
0x47: {  	_ =	swait.ge @!p0 [sflag:s0], s1  }
0x48: {  	s1 =	ssub.s32 @!p0 $0x0, s1;
	[sflag:s0] =	ssyncset.done @!p0 $0x0  }
0x49: {  	[sflag:s0] =	ssyncadd.s32 @!p0 s1  }
0x4a: {  	[bflag:$0x3] =	sbarrier.arrive $0xFFFF  }
0x4b: {  	_ =	shalt  }

</sc_bundles>
